<compile_context>
chip_gen: v7x
topology: tpu7x:2x2x1
jax: 0.10.2.dev20260603
libtpu: 0.0.44.dev20260713+nightly
codegen_flags: <defaults>
</compile_context>

<pallas_src>
import jax
import jax.numpy as jnp
from jax import lax
from jax.experimental import pallas as pl
from jax.experimental.pallas import tpu as pltpu
from jax.experimental.pallas import tpu_sc as plsc

N_NODE = 10000
E_EDGE = 320000
D_FEAT = 128

NC = 2
NS = 16
EPT = E_EDGE // NS
CH = 64
NCHUNK = EPT // CH
TCH = EPT - NCHUNK * CH
NSLOT = 6

ROWS_PT = 624
TAIL_OFF = NS * ROWS_PT
TAIL = N_NODE - TAIL_OFF


def _sc_body(xu, xi, su, du, si, di, zeros, out_u_pre, out_i_pre, *scratch):
    c = lax.axis_index("c")
    s = lax.axis_index("s")
    it = iter(scratch)
    idx_s = tuple(next(it) for _ in range(NSLOT))
    idx_d = tuple(next(it) for _ in range(NSLOT))
    idx_st = next(it)
    idx_dt = next(it)
    rows = tuple(next(it) for _ in range(NSLOT))
    acc = next(it)
    gsem = tuple(next(it) for _ in range(NSLOT))
    ssem = tuple(next(it) for _ in range(NSLOT))
    esem = tuple(next(it) for _ in range(NSLOT))
    dsem = tuple(next(it) for _ in range(NSLOT))
    zsem = next(it)
    tsem_s = next(it)
    tsem_d = next(it)

    pltpu.async_copy(zeros, acc.at[pl.ds(s * ROWS_PT, ROWS_PT)], zsem)

    @pl.when(s == NS - 1)
    def _():
        pltpu.sync_copy(zeros.at[pl.ds(0, TAIL)],
                        acc.at[pl.ds(TAIL_OFF, TAIL)])

    def make_ops(x_hbm, src_hbm, dst_hbm):
        base0 = s * EPT

        def start_src_idx(j, b):
            pltpu.async_copy(src_hbm.at[pl.ds(base0 + j * CH, CH)],
                             idx_s[b], esem[b])

        def start_dst_idx(j, b):
            pltpu.async_copy(dst_hbm.at[pl.ds(base0 + j * CH, CH)],
                             idx_d[b], dsem[b])

        def wait_src_idx(j, b):
            pltpu.make_async_copy(src_hbm.at[pl.ds(base0 + j * CH, CH)],
                                  idx_s[b], esem[b]).wait()

        def wait_dst_idx(j, b):
            pltpu.make_async_copy(dst_hbm.at[pl.ds(base0 + j * CH, CH)],
                                  idx_d[b], dsem[b]).wait()

        def start_gather(b):
            return pltpu.async_copy(x_hbm.at[idx_s[b]], rows[b], gsem[b])

        def wait_gather(b):
            pltpu.make_async_copy(x_hbm.at[idx_s[b]], rows[b],
                                  gsem[b]).wait()

        def start_scatter(b):
            return pltpu.async_copy(rows[b], acc.at[idx_d[b]], ssem[b],
                                    add=True)

        def wait_scatter(b):
            pltpu.make_async_copy(rows[b], acc.at[idx_d[b]], ssem[b]).wait()

        tbase = base0 + NCHUNK * CH

        def prologue():
            for k in range(NSLOT - 1):
                start_src_idx(k, k)
            for k in range(NSLOT - 3):
                start_dst_idx(k, k)
            pltpu.async_copy(src_hbm.at[pl.ds(tbase, TCH)], idx_st, tsem_s)
            pltpu.async_copy(dst_hbm.at[pl.ds(tbase, TCH)], idx_dt, tsem_d)
            for k in range(NSLOT - 3):
                wait_src_idx(k, k)
                start_gather(k)

        def mainloop():
            @pl.loop(0, NCHUNK, step=NSLOT)
            def _outer(i):
                for b in range(NSLOT):
                    j = i + b
                    n3 = (b + 3) % NSLOT
                    n5 = (b + 5) % NSLOT

                    if b <= 2:
                        @pl.when(i > 0)
                        def _():
                            wait_scatter(n3)
                    else:
                        wait_scatter(n3)

                    def _next_gather(j=j, n3=n3):
                        wait_src_idx(j + 3, n3)
                        start_gather(n3)

                    if b <= 2:
                        _next_gather()
                    else:
                        pl.when(i < NCHUNK - NSLOT)(_next_gather)

                    wait_gather(b)
                    wait_dst_idx(j, b)
                    start_scatter(b)

                    def _prefetch_src(j=j, n5=n5):
                        start_src_idx(j + 5, n5)

                    def _prefetch_dst(j=j, n3=n3):
                        start_dst_idx(j + 3, n3)

                    if b == 0:
                        _prefetch_src()
                    else:
                        pl.when(i < NCHUNK - NSLOT)(_prefetch_src)
                    if b <= 2:
                        _prefetch_dst()
                    else:
                        pl.when(i < NCHUNK - NSLOT)(_prefetch_dst)

            for k in range(3):
                wait_scatter((NCHUNK - 3 + k) % NSLOT)

            pltpu.make_async_copy(src_hbm.at[pl.ds(tbase, TCH)], idx_st,
                                  tsem_s).wait()
            pltpu.make_async_copy(dst_hbm.at[pl.ds(tbase, TCH)], idx_dt,
                                  tsem_d).wait()
            pltpu.async_copy(x_hbm.at[idx_st], rows[0].at[pl.ds(0, TCH)],
                             gsem[0]).wait()
            pltpu.sync_copy(rows[0].at[pl.ds(0, TCH)], acc.at[idx_dt],
                            add=True)

        return prologue, mainloop

    pro_u, main_u = make_ops(xu, su, du)
    pro_i, main_i = make_ops(xi, si, di)

    @pl.when(c == 0)
    def _():
        pro_u()

    @pl.when(c == 1)
    def _():
        pro_i()

    pltpu.make_async_copy(zeros, acc.at[pl.ds(s * ROWS_PT, ROWS_PT)],
                          zsem).wait()
    plsc.subcore_barrier()

    @pl.when(c == 0)
    def _():
        main_u()

    @pl.when(c == 1)
    def _():
        main_i()

    plsc.subcore_barrier()

    def dump(out_ref):
        pltpu.sync_copy(acc.at[pl.ds(s * ROWS_PT, ROWS_PT)],
                        out_ref.at[pl.ds(s * ROWS_PT, ROWS_PT)])

        @pl.when(s == NS - 1)
        def _():
            pltpu.sync_copy(acc.at[pl.ds(TAIL_OFF, TAIL)],
                            out_ref.at[pl.ds(TAIL_OFF, TAIL)])

    @pl.when(c == 0)
    def _():
        dump(out_i_pre)

    @pl.when(c == 1)
    def _():
        dump(out_u_pre)


_sc_segment_sum = pl.kernel(
    _sc_body,
    out_type=(
        jax.ShapeDtypeStruct((N_NODE, D_FEAT), jnp.float32),
        jax.ShapeDtypeStruct((N_NODE, D_FEAT), jnp.float32),
    ),
    mesh=plsc.VectorSubcoreMesh(
        core_axis_name="c", subcore_axis_name="s",
        num_cores=NC, num_subcores=NS),
    scratch_types=(
        [pltpu.VMEM((CH,), jnp.int32) for _ in range(NSLOT)] +
        [pltpu.VMEM((CH,), jnp.int32) for _ in range(NSLOT)] +
        [pltpu.VMEM((TCH,), jnp.int32) for _ in range(2)] +
        [pltpu.VMEM((CH, D_FEAT), jnp.float32) for _ in range(NSLOT)] +
        [pltpu.VMEM_SHARED((N_NODE, D_FEAT), jnp.float32)] +
        [pltpu.SemaphoreType.DMA for _ in range(4 * NSLOT + 3)]
    ),
)


def _mm_body(pu_ref, pi_ref, wu_ref, wi_ref, ou_ref, oi_ref):
    ou_ref[...] = jnp.dot(pu_ref[...], wi_ref[...],
                          preferred_element_type=jnp.float32)
    oi_ref[...] = jnp.dot(pi_ref[...], wu_ref[...],
                          preferred_element_type=jnp.float32)


_MM_BLK = 2000


def _apply_weights(p_user, p_item, W_u2i, W_i2u):
    grid = (N_NODE // _MM_BLK,)
    blk = pl.BlockSpec((_MM_BLK, D_FEAT), lambda i: (i, 0))
    wblk = pl.BlockSpec((D_FEAT, D_FEAT), lambda i: (0, 0))
    return pl.pallas_call(
        _mm_body,
        grid=grid,
        in_specs=[blk, blk, wblk, wblk],
        out_specs=[blk, blk],
        out_shape=(
            jax.ShapeDtypeStruct((N_NODE, D_FEAT), jnp.float32),
            jax.ShapeDtypeStruct((N_NODE, D_FEAT), jnp.float32),
        ),
    )(p_user, p_item, W_u2i, W_i2u)


@jax.jit
def kernel(x_user, x_item, W_u2i, W_i2u,
           src_idx_u2i, dst_idx_u2i, src_idx_i2u, dst_idx_i2u):
    zeros = jnp.zeros((ROWS_PT, D_FEAT), jnp.float32)
    p_user, p_item = _sc_segment_sum(
        x_user, x_item, src_idx_u2i, dst_idx_u2i, src_idx_i2u, dst_idx_i2u,
        zeros)
    out_user, out_item = _apply_weights(p_user, p_item, W_u2i, W_i2u)
    return (out_user, out_item)

# --- scband reference (transcript-rebuilt; emitter-appended) ---
"""Pipeline reference for scband-hetero-gnnlayer-1099511628159 (READ-ONLY COPY).

The authoritative reference and input builder live on the scoring server;
editing this copy changes nothing except your own understanding.
"""

import jax, jax.numpy as jnp
import numpy as np

N_USER = 10000
N_ITEM = 10000
E = 320000
D = 128


def setup_inputs(seed: int = 0) -> dict:
    key = jax.random.key(seed)
    ks = jax.random.split(key, 8)
    x_user = jax.random.normal(ks[0], (N_USER, D), dtype=jnp.float32)
    x_item = jax.random.normal(ks[1], (N_ITEM, D), dtype=jnp.float32)
    src_idx_u2i = jax.random.randint(ks[2], (E,), 0, N_USER, dtype=jnp.int32)
    dst_idx_u2i = jax.random.randint(ks[3], (E,), 0, N_ITEM, dtype=jnp.int32)
    src_idx_i2u = jax.random.randint(ks[4], (E,), 0, N_ITEM, dtype=jnp.int32)
    dst_idx_i2u = jax.random.randint(ks[5], (E,), 0, N_USER, dtype=jnp.int32)
    scale = 1.0 / np.sqrt(D)
    W_u2i = jax.random.normal(ks[6], (D, D), dtype=jnp.float32) * scale
    W_i2u = jax.random.normal(ks[7], (D, D), dtype=jnp.float32) * scale
    return {
        'x_user': x_user,
        'x_item': x_item,
        'W_u2i': W_u2i,
        'W_i2u': W_i2u,
        'src_idx_u2i': src_idx_u2i,
        'dst_idx_u2i': dst_idx_u2i,
        'src_idx_i2u': src_idx_i2u,
        'dst_idx_i2u': dst_idx_i2u,
    }


def reference(x_user, x_item, W_u2i, W_i2u, src_idx_u2i, dst_idx_u2i, src_idx_i2u, dst_idx_i2u):
    # Edge type user -> item: per-conv message passing
    # conv(x_src, x_dst, src_idx, dst_idx, num_dst):
    #   gather source features, transform, scatter-add into destination nodes
    msg_u2i = jnp.take(x_user, src_idx_u2i, axis=0) @ W_u2i
    out_item = jax.ops.segment_sum(msg_u2i, dst_idx_u2i, num_segments=N_ITEM)

    # Edge type item -> user
    msg_i2u = jnp.take(x_item, src_idx_i2u, axis=0) @ W_i2u
    out_user = jax.ops.segment_sum(msg_i2u, dst_idx_i2u, num_segments=N_USER)

    # HeteroGNNLayer returns out_dict; both node types are destinations so
    # no passthrough branch triggers. Output ordered as (user, item).
    return (out_user, out_item)

if __name__ == "__main__":
    import jax
    _d = setup_inputs()
    print(jax.jit(kernel)(*tuple(_d.values())))

</pallas_src>

<mosaic_0001>
#map = affine_map<(d0, d1) -> (0, 0)>
#map1 = affine_map<(d0, d1) -> (0)>
module attributes {stable_mosaic.version = 14 : i64} {
  func.func @_sc_body(%arg0: i32, %arg1: i32, %arg2: memref<10000x128xf32, #tpu.memory_space<hbm>>, %arg3: memref<10000x128xf32, #tpu.memory_space<hbm>>, %arg4: memref<320000xi32, #tpu.memory_space<hbm>>, %arg5: memref<320000xi32, #tpu.memory_space<hbm>>, %arg6: memref<320000xi32, #tpu.memory_space<hbm>>, %arg7: memref<320000xi32, #tpu.memory_space<hbm>>, %arg8: memref<624x128xf32, #tpu.memory_space<hbm>>, %arg9: memref<10000x128xf32, #tpu.memory_space<hbm>>, %arg10: memref<10000x128xf32, #tpu.memory_space<hbm>>, %arg11: memref<64xi32, #tpu.memory_space<vmem>>, %arg12: memref<64xi32, #tpu.memory_space<vmem>>, %arg13: memref<64xi32, #tpu.memory_space<vmem>>, %arg14: memref<64xi32, #tpu.memory_space<vmem>>, %arg15: memref<64xi32, #tpu.memory_space<vmem>>, %arg16: memref<64xi32, #tpu.memory_space<vmem>>, %arg17: memref<64xi32, #tpu.memory_space<vmem>>, %arg18: memref<64xi32, #tpu.memory_space<vmem>>, %arg19: memref<64xi32, #tpu.memory_space<vmem>>, %arg20: memref<64xi32, #tpu.memory_space<vmem>>, %arg21: memref<64xi32, #tpu.memory_space<vmem>>, %arg22: memref<64xi32, #tpu.memory_space<vmem>>, %arg23: memref<32xi32, #tpu.memory_space<vmem>>, %arg24: memref<32xi32, #tpu.memory_space<vmem>>, %arg25: memref<64x128xf32, #tpu.memory_space<vmem>>, %arg26: memref<64x128xf32, #tpu.memory_space<vmem>>, %arg27: memref<64x128xf32, #tpu.memory_space<vmem>>, %arg28: memref<64x128xf32, #tpu.memory_space<vmem>>, %arg29: memref<64x128xf32, #tpu.memory_space<vmem>>, %arg30: memref<64x128xf32, #tpu.memory_space<vmem>>, %arg31: memref<10000x128xf32, #tpu.memory_space<vmem_shared>>, %arg32: memref<!tpu.dma_semaphore, #tpu.memory_space<semaphore_mem>>, %arg33: memref<!tpu.dma_semaphore, #tpu.memory_space<semaphore_mem>>, %arg34: memref<!tpu.dma_semaphore, #tpu.memory_space<semaphore_mem>>, %arg35: memref<!tpu.dma_semaphore, #tpu.memory_space<semaphore_mem>>, %arg36: memref<!tpu.dma_semaphore, #tpu.memory_space<semaphore_mem>>, %arg37: memref<!tpu.dma_semaphore, #tpu.memory_space<semaphore_mem>>, %arg38: memref<!tpu.dma_semaphore, #tpu.memory_space<semaphore_mem>>, %arg39: memref<!tpu.dma_semaphore, #tpu.memory_space<semaphore_mem>>, %arg40: memref<!tpu.dma_semaphore, #tpu.memory_space<semaphore_mem>>, %arg41: memref<!tpu.dma_semaphore, #tpu.memory_space<semaphore_mem>>, %arg42: memref<!tpu.dma_semaphore, #tpu.memory_space<semaphore_mem>>, %arg43: memref<!tpu.dma_semaphore, #tpu.memory_space<semaphore_mem>>, %arg44: memref<!tpu.dma_semaphore, #tpu.memory_space<semaphore_mem>>, %arg45: memref<!tpu.dma_semaphore, #tpu.memory_space<semaphore_mem>>, %arg46: memref<!tpu.dma_semaphore, #tpu.memory_space<semaphore_mem>>, %arg47: memref<!tpu.dma_semaphore, #tpu.memory_space<semaphore_mem>>, %arg48: memref<!tpu.dma_semaphore, #tpu.memory_space<semaphore_mem>>, %arg49: memref<!tpu.dma_semaphore, #tpu.memory_space<semaphore_mem>>, %arg50: memref<!tpu.dma_semaphore, #tpu.memory_space<semaphore_mem>>, %arg51: memref<!tpu.dma_semaphore, #tpu.memory_space<semaphore_mem>>, %arg52: memref<!tpu.dma_semaphore, #tpu.memory_space<semaphore_mem>>, %arg53: memref<!tpu.dma_semaphore, #tpu.memory_space<semaphore_mem>>, %arg54: memref<!tpu.dma_semaphore, #tpu.memory_space<semaphore_mem>>, %arg55: memref<!tpu.dma_semaphore, #tpu.memory_space<semaphore_mem>>, %arg56: memref<!tpu.dma_semaphore, #tpu.memory_space<semaphore_mem>>, %arg57: memref<!tpu.dma_semaphore, #tpu.memory_space<semaphore_mem>>, %arg58: memref<!tpu.dma_semaphore, #tpu.memory_space<semaphore_mem>>) attributes {dimension_semantics = [#tpu.dimension_semantics<core_parallel>, #tpu.dimension_semantics<subcore_parallel>], iteration_bounds = array<i64: 2, 16>, scalar_prefetch = 0 : i64, scratch_operands = 48 : i64, tpu.core_type = #tpu.core_type<sc_vector_subcore>, window_params = [{transform_indices = #map}, {transform_indices = #map}, {transform_indices = #map1}, {transform_indices = #map1}, {transform_indices = #map1}, {transform_indices = #map1}, {transform_indices = #map}, {transform_indices = #map}, {transform_indices = #map}]} {
    %mul3A = arith.constant 624 : i32
    %mul3A_0 = arith.muli %arg1, %mul3A : i32
    %dma_start3A = arith.constant 0 : i32
    %dma_start3A_1 = tpu.memref_slice %arg31[%mul3A_0, %dma_start3A] : memref<10000x128xf32, #tpu.memory_space<vmem_shared>> -> memref<624x128xf32, #tpu.memory_space<vmem_shared>>
    tpu.enqueue_dma source(%arg8 : memref<624x128xf32, #tpu.memory_space<hbm>>) target(%dma_start3A_1 : memref<624x128xf32, #tpu.memory_space<vmem_shared>>) target_semaphore(%arg56 : memref<!tpu.dma_semaphore, #tpu.memory_space<semaphore_mem>>)
    %eq3A = arith.constant 15 : i32
    %eq3A_2 = arith.cmpi eq, %arg1, %eq3A : i32
    %convert_element_type3A = arith.extui %eq3A_2 : i1 to i32
    %cond3A = arith.constant 0 : i32
    %cond3A_3 = arith.cmpi ne, %convert_element_type3A, %cond3A : i32
    scf.if %cond3A_3 {
      "tpu.region"() ({
        %run_scoped3A = tpu.sem_alloc : memref<!tpu.dma_semaphore, #tpu.memory_space<semaphore_mem>>
        %dma_start3A_45 = arith.constant 9984 : i32
        %dma_start3A_46 = arith.constant 0 : i32
        %dma_start3A_47 = tpu.memref_slice %arg31[%dma_start3A_45, %dma_start3A_46] : memref<10000x128xf32, #tpu.memory_space<vmem_shared>> -> memref<16x128xf32, #tpu.memory_space<vmem_shared>>
        %dma_start3A_48 = arith.constant 0 : i32
        %dma_start3A_49 = arith.constant 0 : i32
        %dma_start3A_50 = tpu.memref_slice %arg8[%dma_start3A_48, %dma_start3A_49] : memref<624x128xf32, #tpu.memory_space<hbm>> -> memref<16x128xf32, #tpu.memory_space<hbm>>
        tpu.enqueue_dma source(%dma_start3A_50 : memref<16x128xf32, #tpu.memory_space<hbm>>) target(%dma_start3A_47 : memref<16x128xf32, #tpu.memory_space<vmem_shared>>) target_semaphore(%run_scoped3A : memref<!tpu.dma_semaphore, #tpu.memory_space<semaphore_mem>>)
        %dma_wait3A_51 = arith.constant 9984 : i32
        %dma_wait3A_52 = arith.constant 0 : i32
        %dma_wait3A_53 = tpu.memref_slice %arg31[%dma_wait3A_51, %dma_wait3A_52] : memref<10000x128xf32, #tpu.memory_space<vmem_shared>> -> memref<16x128xf32, #tpu.memory_space<vmem_shared>>
        %dma_wait3A_54 = arith.constant 0 : i32
        %dma_wait3A_55 = arith.constant 0 : i32
        %dma_wait3A_56 = tpu.memref_slice %arg8[%dma_wait3A_54, %dma_wait3A_55] : memref<624x128xf32, #tpu.memory_space<hbm>> -> memref<16x128xf32, #tpu.memory_space<hbm>>
        tpu.wait_dma2 semaphore(%run_scoped3A : memref<!tpu.dma_semaphore, #tpu.memory_space<semaphore_mem>>) src(%dma_wait3A_56 : memref<16x128xf32, #tpu.memory_space<hbm>>) dst(%dma_wait3A_53 : memref<16x128xf32, #tpu.memory_space<vmem_shared>>)
        tpu.yield
      }) : () -> ()
    } else {
    }
    %mul3A_4 = arith.constant 20000 : i32
    %mul3A_5 = arith.muli %arg1, %mul3A_4 : i32
    %add3A = arith.constant 19968 : i32
    %add3A_6 = arith.addi %mul3A_5, %add3A : i32
    %mul3A_7 = arith.constant 20000 : i32
    %mul3A_8 = arith.muli %arg1, %mul3A_7 : i32
    %add3A_9 = arith.constant 19968 : i32
    %add3A_10 = arith.addi %mul3A_8, %add3A_9 : i32
    %eq3A_11 = arith.constant 0 : i32
    %eq3A_12 = arith.cmpi eq, %arg0, %eq3A_11 : i32
    %convert_element_type3A_13 = arith.extui %eq3A_12 : i1 to i32
    %cond3A_14 = arith.constant 0 : i32
    %cond3A_15 = arith.cmpi ne, %convert_element_type3A_13, %cond3A_14 : i32
    scf.if %cond3A_15 {
      %add3A_45 = arith.constant 0 : i32
      %add3A_46 = arith.addi %mul3A_5, %add3A_45 : i32
      %dma_start3A_47 = tpu.memref_slice %arg4[%add3A_46] : memref<320000xi32, #tpu.memory_space<hbm>> -> memref<64xi32, #tpu.memory_space<hbm>>
      %dma_start3A_48 = tpu.memref_slice %arg4[%add3A_46] : memref<320000xi32, #tpu.memory_space<hbm>> -> memref<64xi32, #tpu.memory_space<hbm>>
      tpu.enqueue_dma source(%dma_start3A_48 : memref<64xi32, #tpu.memory_space<hbm>>) target(%arg11 : memref<64xi32, #tpu.memory_space<vmem>>) target_semaphore(%arg44 : memref<!tpu.dma_semaphore, #tpu.memory_space<semaphore_mem>>)
      %add3A_49 = arith.constant 64 : i32
      %add3A_50 = arith.addi %mul3A_5, %add3A_49 : i32
      %dma_start3A_51 = tpu.memref_slice %arg4[%add3A_50] : memref<320000xi32, #tpu.memory_space<hbm>> -> memref<64xi32, #tpu.memory_space<hbm>>
      %dma_start3A_52 = tpu.memref_slice %arg4[%add3A_50] : memref<320000xi32, #tpu.memory_space<hbm>> -> memref<64xi32, #tpu.memory_space<hbm>>
      tpu.enqueue_dma source(%dma_start3A_52 : memref<64xi32, #tpu.memory_space<hbm>>) target(%arg12 : memref<64xi32, #tpu.memory_space<vmem>>) target_semaphore(%arg45 : memref<!tpu.dma_semaphore, #tpu.memory_space<semaphore_mem>>)
      %add3A_53 = arith.constant 128 : i32
      %add3A_54 = arith.addi %mul3A_5, %add3A_53 : i32
      %dma_start3A_55 = tpu.memref_slice %arg4[%add3A_54] : memref<320000xi32, #tpu.memory_space<hbm>> -> memref<64xi32, #tpu.memory_space<hbm>>
      %dma_start3A_56 = tpu.memref_slice %arg4[%add3A_54] : memref<320000xi32, #tpu.memory_space<hbm>> -> memref<64xi32, #tpu.memory_space<hbm>>
      tpu.enqueue_dma source(%dma_start3A_56 : memref<64xi32, #tpu.memory_space<hbm>>) target(%arg13 : memref<64xi32, #tpu.memory_space<vmem>>) target_semaphore(%arg46 : memref<!tpu.dma_semaphore, #tpu.memory_space<semaphore_mem>>)
      %add3A_57 = arith.constant 192 : i32
      %add3A_58 = arith.addi %mul3A_5, %add3A_57 : i32
      %dma_start3A_59 = tpu.memref_slice %arg4[%add3A_58] : memref<320000xi32, #tpu.memory_space<hbm>> -> memref<64xi32, #tpu.memory_space<hbm>>
      %dma_start3A_60 = tpu.memref_slice %arg4[%add3A_58] : memref<320000xi32, #tpu.memory_space<hbm>> -> memref<64xi32, #tpu.memory_space<hbm>>
      tpu.enqueue_dma source(%dma_start3A_60 : memref<64xi32, #tpu.memory_space<hbm>>) target(%arg14 : memref<64xi32, #tpu.memory_space<vmem>>) target_semaphore(%arg47 : memref<!tpu.dma_semaphore, #tpu.memory_space<semaphore_mem>>)
      %add3A_61 = arith.constant 256 : i32
      %add3A_62 = arith.addi %mul3A_5, %add3A_61 : i32
      %dma_start3A_63 = tpu.memref_slice %arg4[%add3A_62] : memref<320000xi32, #tpu.memory_space<hbm>> -> memref<64xi32, #tpu.memory_space<hbm>>
      %dma_start3A_64 = tpu.memref_slice %arg4[%add3A_62] : memref<320000xi32, #tpu.memory_space<hbm>> -> memref<64xi32, #tpu.memory_space<hbm>>
      tpu.enqueue_dma source(%dma_start3A_64 : memref<64xi32, #tpu.memory_space<hbm>>) target(%arg15 : memref<64xi32, #tpu.memory_space<vmem>>) target_semaphore(%arg48 : memref<!tpu.dma_semaphore, #tpu.memory_space<semaphore_mem>>)
      %add3A_65 = arith.constant 0 : i32
      %add3A_66 = arith.addi %mul3A_5, %add3A_65 : i32
      %dma_start3A_67 = tpu.memref_slice %arg5[%add3A_66] : memref<320000xi32, #tpu.memory_space<hbm>> -> memref<64xi32, #tpu.memory_space<hbm>>
      %dma_start3A_68 = tpu.memref_slice %arg5[%add3A_66] : memref<320000xi32, #tpu.memory_space<hbm>> -> memref<64xi32, #tpu.memory_space<hbm>>
      tpu.enqueue_dma source(%dma_start3A_68 : memref<64xi32, #tpu.memory_space<hbm>>) target(%arg17 : memref<64xi32, #tpu.memory_space<vmem>>) target_semaphore(%arg50 : memref<!tpu.dma_semaphore, #tpu.memory_space<semaphore_mem>>)
      %add3A_69 = arith.constant 64 : i32
      %add3A_70 = arith.addi %mul3A_5, %add3A_69 : i32
      %dma_start3A_71 = tpu.memref_slice %arg5[%add3A_70] : memref<320000xi32, #tpu.memory_space<hbm>> -> memref<64xi32, #tpu.memory_space<hbm>>
      %dma_start3A_72 = tpu.memref_slice %arg5[%add3A_70] : memref<320000xi32, #tpu.memory_space<hbm>> -> memref<64xi32, #tpu.memory_space<hbm>>
      tpu.enqueue_dma source(%dma_start3A_72 : memref<64xi32, #tpu.memory_space<hbm>>) target(%arg18 : memref<64xi32, #tpu.memory_space<vmem>>) target_semaphore(%arg51 : memref<!tpu.dma_semaphore, #tpu.memory_space<semaphore_mem>>)
      %add3A_73 = arith.constant 128 : i32
      %add3A_74 = arith.addi %mul3A_5, %add3A_73 : i32
      %dma_start3A_75 = tpu.memref_slice %arg5[%add3A_74] : memref<320000xi32, #tpu.memory_space<hbm>> -> memref<64xi32, #tpu.memory_space<hbm>>
      %dma_start3A_76 = tpu.memref_slice %arg5[%add3A_74] : memref<320000xi32, #tpu.memory_space<hbm>> -> memref<64xi32, #tpu.memory_space<hbm>>
      tpu.enqueue_dma source(%dma_start3A_76 : memref<64xi32, #tpu.memory_space<hbm>>) target(%arg19 : memref<64xi32, #tpu.memory_space<vmem>>) target_semaphore(%arg52 : memref<!tpu.dma_semaphore, #tpu.memory_space<semaphore_mem>>)
      %dma_start3A_77 = tpu.memref_slice %arg4[%add3A_6] : memref<320000xi32, #tpu.memory_space<hbm>> -> memref<32xi32, #tpu.memory_space<hbm>>
      %dma_start3A_78 = tpu.memref_slice %arg4[%add3A_6] : memref<320000xi32, #tpu.memory_space<hbm>> -> memref<32xi32, #tpu.memory_space<hbm>>
      tpu.enqueue_dma source(%dma_start3A_78 : memref<32xi32, #tpu.memory_space<hbm>>) target(%arg23 : memref<32xi32, #tpu.memory_space<vmem>>) target_semaphore(%arg57 : memref<!tpu.dma_semaphore, #tpu.memory_space<semaphore_mem>>)
      %dma_start3A_79 = tpu.memref_slice %arg5[%add3A_6] : memref<320000xi32, #tpu.memory_space<hbm>> -> memref<32xi32, #tpu.memory_space<hbm>>
      %dma_start3A_80 = tpu.memref_slice %arg5[%add3A_6] : memref<320000xi32, #tpu.memory_space<hbm>> -> memref<32xi32, #tpu.memory_space<hbm>>
      tpu.enqueue_dma source(%dma_start3A_80 : memref<32xi32, #tpu.memory_space<hbm>>) target(%arg24 : memref<32xi32, #tpu.memory_space<vmem>>) target_semaphore(%arg58 : memref<!tpu.dma_semaphore, #tpu.memory_space<semaphore_mem>>)
      %add3A_81 = arith.constant 0 : i32
      %add3A_82 = arith.addi %mul3A_5, %add3A_81 : i32
      %dma_wait3A_83 = tpu.memref_slice %arg4[%add3A_82] : memref<320000xi32, #tpu.memory_space<hbm>> -> memref<64xi32, #tpu.memory_space<hbm>>
      %dma_wait3A_84 = tpu.memref_slice %arg4[%add3A_82] : memref<320000xi32, #tpu.memory_space<hbm>> -> memref<64xi32, #tpu.memory_space<hbm>>
      tpu.wait_dma2 semaphore(%arg44 : memref<!tpu.dma_semaphore, #tpu.memory_space<semaphore_mem>>) src(%dma_wait3A_84 : memref<64xi32, #tpu.memory_space<hbm>>) dst(%arg11 : memref<64xi32, #tpu.memory_space<vmem>>)
      %dma_start3A_85 = arith.constant 0 : i32
      %dma_start3A_86 = arith.constant 0 : i32
      %dma_start3A_87 = tpu.memref_slice %arg2[%dma_start3A_85, %dma_start3A_86] : memref<10000x128xf32, #tpu.memory_space<hbm>> -> memref<10000x128xf32, #tpu.memory_space<hbm>>
      tpu.enqueue_indirect_dma source(%dma_start3A_87 : memref<10000x128xf32, #tpu.memory_space<hbm>>) target(%arg25 : memref<64x128xf32, #tpu.memory_space<vmem>>) offsets(%arg11 : memref<64xi32, #tpu.memory_space<vmem>>) semaphore(%arg32 : memref<!tpu.dma_semaphore, #tpu.memory_space<semaphore_mem>>)
      %add3A_88 = arith.constant 64 : i32
      %add3A_89 = arith.addi %mul3A_5, %add3A_88 : i32
      %dma_wait3A_90 = tpu.memref_slice %arg4[%add3A_89] : memref<320000xi32, #tpu.memory_space<hbm>> -> memref<64xi32, #tpu.memory_space<hbm>>
      %dma_wait3A_91 = tpu.memref_slice %arg4[%add3A_89] : memref<320000xi32, #tpu.memory_space<hbm>> -> memref<64xi32, #tpu.memory_space<hbm>>
      tpu.wait_dma2 semaphore(%arg45 : memref<!tpu.dma_semaphore, #tpu.memory_space<semaphore_mem>>) src(%dma_wait3A_91 : memref<64xi32, #tpu.memory_space<hbm>>) dst(%arg12 : memref<64xi32, #tpu.memory_space<vmem>>)
      %dma_start3A_92 = arith.constant 0 : i32
      %dma_start3A_93 = arith.constant 0 : i32
      %dma_start3A_94 = tpu.memref_slice %arg2[%dma_start3A_92, %dma_start3A_93] : memref<10000x128xf32, #tpu.memory_space<hbm>> -> memref<10000x128xf32, #tpu.memory_space<hbm>>
      tpu.enqueue_indirect_dma source(%dma_start3A_94 : memref<10000x128xf32, #tpu.memory_space<hbm>>) target(%arg26 : memref<64x128xf32, #tpu.memory_space<vmem>>) offsets(%arg12 : memref<64xi32, #tpu.memory_space<vmem>>) semaphore(%arg33 : memref<!tpu.dma_semaphore, #tpu.memory_space<semaphore_mem>>)
      %add3A_95 = arith.constant 128 : i32
      %add3A_96 = arith.addi %mul3A_5, %add3A_95 : i32
      %dma_wait3A_97 = tpu.memref_slice %arg4[%add3A_96] : memref<320000xi32, #tpu.memory_space<hbm>> -> memref<64xi32, #tpu.memory_space<hbm>>
      %dma_wait3A_98 = tpu.memref_slice %arg4[%add3A_96] : memref<320000xi32, #tpu.memory_space<hbm>> -> memref<64xi32, #tpu.memory_space<hbm>>
      tpu.wait_dma2 semaphore(%arg46 : memref<!tpu.dma_semaphore, #tpu.memory_space<semaphore_mem>>) src(%dma_wait3A_98 : memref<64xi32, #tpu.memory_space<hbm>>) dst(%arg13 : memref<64xi32, #tpu.memory_space<vmem>>)
      %dma_start3A_99 = arith.constant 0 : i32
      %dma_start3A_100 = arith.constant 0 : i32
      %dma_start3A_101 = tpu.memref_slice %arg2[%dma_start3A_99, %dma_start3A_100] : memref<10000x128xf32, #tpu.memory_space<hbm>> -> memref<10000x128xf32, #tpu.memory_space<hbm>>
      tpu.enqueue_indirect_dma source(%dma_start3A_101 : memref<10000x128xf32, #tpu.memory_space<hbm>>) target(%arg27 : memref<64x128xf32, #tpu.memory_space<vmem>>) offsets(%arg13 : memref<64xi32, #tpu.memory_space<vmem>>) semaphore(%arg34 : memref<!tpu.dma_semaphore, #tpu.memory_space<semaphore_mem>>)
    } else {
    }
    %eq3A_16 = arith.constant 1 : i32
    %eq3A_17 = arith.cmpi eq, %arg0, %eq3A_16 : i32
    %convert_element_type3A_18 = arith.extui %eq3A_17 : i1 to i32
    %cond3A_19 = arith.constant 0 : i32
    %cond3A_20 = arith.cmpi ne, %convert_element_type3A_18, %cond3A_19 : i32
    scf.if %cond3A_20 {
      %add3A_45 = arith.constant 0 : i32
      %add3A_46 = arith.addi %mul3A_8, %add3A_45 : i32
      %dma_start3A_47 = tpu.memref_slice %arg6[%add3A_46] : memref<320000xi32, #tpu.memory_space<hbm>> -> memref<64xi32, #tpu.memory_space<hbm>>
      %dma_start3A_48 = tpu.memref_slice %arg6[%add3A_46] : memref<320000xi32, #tpu.memory_space<hbm>> -> memref<64xi32, #tpu.memory_space<hbm>>
      tpu.enqueue_dma source(%dma_start3A_48 : memref<64xi32, #tpu.memory_space<hbm>>) target(%arg11 : memref<64xi32, #tpu.memory_space<vmem>>) target_semaphore(%arg44 : memref<!tpu.dma_semaphore, #tpu.memory_space<semaphore_mem>>)
      %add3A_49 = arith.constant 64 : i32
      %add3A_50 = arith.addi %mul3A_8, %add3A_49 : i32
      %dma_start3A_51 = tpu.memref_slice %arg6[%add3A_50] : memref<320000xi32, #tpu.memory_space<hbm>> -> memref<64xi32, #tpu.memory_space<hbm>>
      %dma_start3A_52 = tpu.memref_slice %arg6[%add3A_50] : memref<320000xi32, #tpu.memory_space<hbm>> -> memref<64xi32, #tpu.memory_space<hbm>>
      tpu.enqueue_dma source(%dma_start3A_52 : memref<64xi32, #tpu.memory_space<hbm>>) target(%arg12 : memref<64xi32, #tpu.memory_space<vmem>>) target_semaphore(%arg45 : memref<!tpu.dma_semaphore, #tpu.memory_space<semaphore_mem>>)
      %add3A_53 = arith.constant 128 : i32
      %add3A_54 = arith.addi %mul3A_8, %add3A_53 : i32
      %dma_start3A_55 = tpu.memref_slice %arg6[%add3A_54] : memref<320000xi32, #tpu.memory_space<hbm>> -> memref<64xi32, #tpu.memory_space<hbm>>
      %dma_start3A_56 = tpu.memref_slice %arg6[%add3A_54] : memref<320000xi32, #tpu.memory_space<hbm>> -> memref<64xi32, #tpu.memory_space<hbm>>
      tpu.enqueue_dma source(%dma_start3A_56 : memref<64xi32, #tpu.memory_space<hbm>>) target(%arg13 : memref<64xi32, #tpu.memory_space<vmem>>) target_semaphore(%arg46 : memref<!tpu.dma_semaphore, #tpu.memory_space<semaphore_mem>>)
      %add3A_57 = arith.constant 192 : i32
      %add3A_58 = arith.addi %mul3A_8, %add3A_57 : i32
      %dma_start3A_59 = tpu.memref_slice %arg6[%add3A_58] : memref<320000xi32, #tpu.memory_space<hbm>> -> memref<64xi32, #tpu.memory_space<hbm>>
      %dma_start3A_60 = tpu.memref_slice %arg6[%add3A_58] : memref<320000xi32, #tpu.memory_space<hbm>> -> memref<64xi32, #tpu.memory_space<hbm>>
      tpu.enqueue_dma source(%dma_start3A_60 : memref<64xi32, #tpu.memory_space<hbm>>) target(%arg14 : memref<64xi32, #tpu.memory_space<vmem>>) target_semaphore(%arg47 : memref<!tpu.dma_semaphore, #tpu.memory_space<semaphore_mem>>)
      %add3A_61 = arith.constant 256 : i32
      %add3A_62 = arith.addi %mul3A_8, %add3A_61 : i32
      %dma_start3A_63 = tpu.memref_slice %arg6[%add3A_62] : memref<320000xi32, #tpu.memory_space<hbm>> -> memref<64xi32, #tpu.memory_space<hbm>>
      %dma_start3A_64 = tpu.memref_slice %arg6[%add3A_62] : memref<320000xi32, #tpu.memory_space<hbm>> -> memref<64xi32, #tpu.memory_space<hbm>>
      tpu.enqueue_dma source(%dma_start3A_64 : memref<64xi32, #tpu.memory_space<hbm>>) target(%arg15 : memref<64xi32, #tpu.memory_space<vmem>>) target_semaphore(%arg48 : memref<!tpu.dma_semaphore, #tpu.memory_space<semaphore_mem>>)
      %add3A_65 = arith.constant 0 : i32
      %add3A_66 = arith.addi %mul3A_8, %add3A_65 : i32
      %dma_start3A_67 = tpu.memref_slice %arg7[%add3A_66] : memref<320000xi32, #tpu.memory_space<hbm>> -> memref<64xi32, #tpu.memory_space<hbm>>
      %dma_start3A_68 = tpu.memref_slice %arg7[%add3A_66] : memref<320000xi32, #tpu.memory_space<hbm>> -> memref<64xi32, #tpu.memory_space<hbm>>
      tpu.enqueue_dma source(%dma_start3A_68 : memref<64xi32, #tpu.memory_space<hbm>>) target(%arg17 : memref<64xi32, #tpu.memory_space<vmem>>) target_semaphore(%arg50 : memref<!tpu.dma_semaphore, #tpu.memory_space<semaphore_mem>>)
      %add3A_69 = arith.constant 64 : i32
      %add3A_70 = arith.addi %mul3A_8, %add3A_69 : i32
      %dma_start3A_71 = tpu.memref_slice %arg7[%add3A_70] : memref<320000xi32, #tpu.memory_space<hbm>> -> memref<64xi32, #tpu.memory_space<hbm>>
      %dma_start3A_72 = tpu.memref_slice %arg7[%add3A_70] : memref<320000xi32, #tpu.memory_space<hbm>> -> memref<64xi32, #tpu.memory_space<hbm>>
      tpu.enqueue_dma source(%dma_start3A_72 : memref<64xi32, #tpu.memory_space<hbm>>) target(%arg18 : memref<64xi32, #tpu.memory_space<vmem>>) target_semaphore(%arg51 : memref<!tpu.dma_semaphore, #tpu.memory_space<semaphore_mem>>)
      %add3A_73 = arith.constant 128 : i32
      %add3A_74 = arith.addi %mul3A_8, %add3A_73 : i32
      %dma_start3A_75 = tpu.memref_slice %arg7[%add3A_74] : memref<320000xi32, #tpu.memory_space<hbm>> -> memref<64xi32, #tpu.memory_space<hbm>>
      %dma_start3A_76 = tpu.memref_slice %arg7[%add3A_74] : memref<320000xi32, #tpu.memory_space<hbm>> -> memref<64xi32, #tpu.memory_space<hbm>>
      tpu.enqueue_dma source(%dma_start3A_76 : memref<64xi32, #tpu.memory_space<hbm>>) target(%arg19 : memref<64xi32, #tpu.memory_space<vmem>>) target_semaphore(%arg52 : memref<!tpu.dma_semaphore, #tpu.memory_space<semaphore_mem>>)
      %dma_start3A_77 = tpu.memref_slice %arg6[%add3A_10] : memref<320000xi32, #tpu.memory_space<hbm>> -> memref<32xi32, #tpu.memory_space<hbm>>
      %dma_start3A_78 = tpu.memref_slice %arg6[%add3A_10] : memref<320000xi32, #tpu.memory_space<hbm>> -> memref<32xi32, #tpu.memory_space<hbm>>
      tpu.enqueue_dma source(%dma_start3A_78 : memref<32xi32, #tpu.memory_space<hbm>>) target(%arg23 : memref<32xi32, #tpu.memory_space<vmem>>) target_semaphore(%arg57 : memref<!tpu.dma_semaphore, #tpu.memory_space<semaphore_mem>>)
      %dma_start3A_79 = tpu.memref_slice %arg7[%add3A_10] : memref<320000xi32, #tpu.memory_space<hbm>> -> memref<32xi32, #tpu.memory_space<hbm>>
      %dma_start3A_80 = tpu.memref_slice %arg7[%add3A_10] : memref<320000xi32, #tpu.memory_space<hbm>> -> memref<32xi32, #tpu.memory_space<hbm>>
      tpu.enqueue_dma source(%dma_start3A_80 : memref<32xi32, #tpu.memory_space<hbm>>) target(%arg24 : memref<32xi32, #tpu.memory_space<vmem>>) target_semaphore(%arg58 : memref<!tpu.dma_semaphore, #tpu.memory_space<semaphore_mem>>)
      %add3A_81 = arith.constant 0 : i32
      %add3A_82 = arith.addi %mul3A_8, %add3A_81 : i32
      %dma_wait3A_83 = tpu.memref_slice %arg6[%add3A_82] : memref<320000xi32, #tpu.memory_space<hbm>> -> memref<64xi32, #tpu.memory_space<hbm>>
      %dma_wait3A_84 = tpu.memref_slice %arg6[%add3A_82] : memref<320000xi32, #tpu.memory_space<hbm>> -> memref<64xi32, #tpu.memory_space<hbm>>
      tpu.wait_dma2 semaphore(%arg44 : memref<!tpu.dma_semaphore, #tpu.memory_space<semaphore_mem>>) src(%dma_wait3A_84 : memref<64xi32, #tpu.memory_space<hbm>>) dst(%arg11 : memref<64xi32, #tpu.memory_space<vmem>>)
      %dma_start3A_85 = arith.constant 0 : i32
      %dma_start3A_86 = arith.constant 0 : i32
      %dma_start3A_87 = tpu.memref_slice %arg3[%dma_start3A_85, %dma_start3A_86] : memref<10000x128xf32, #tpu.memory_space<hbm>> -> memref<10000x128xf32, #tpu.memory_space<hbm>>
      tpu.enqueue_indirect_dma source(%dma_start3A_87 : memref<10000x128xf32, #tpu.memory_space<hbm>>) target(%arg25 : memref<64x128xf32, #tpu.memory_space<vmem>>) offsets(%arg11 : memref<64xi32, #tpu.memory_space<vmem>>) semaphore(%arg32 : memref<!tpu.dma_semaphore, #tpu.memory_space<semaphore_mem>>)
      %add3A_88 = arith.constant 64 : i32
      %add3A_89 = arith.addi %mul3A_8, %add3A_88 : i32
      %dma_wait3A_90 = tpu.memref_slice %arg6[%add3A_89] : memref<320000xi32, #tpu.memory_space<hbm>> -> memref<64xi32, #tpu.memory_space<hbm>>
      %dma_wait3A_91 = tpu.memref_slice %arg6[%add3A_89] : memref<320000xi32, #tpu.memory_space<hbm>> -> memref<64xi32, #tpu.memory_space<hbm>>
      tpu.wait_dma2 semaphore(%arg45 : memref<!tpu.dma_semaphore, #tpu.memory_space<semaphore_mem>>) src(%dma_wait3A_91 : memref<64xi32, #tpu.memory_space<hbm>>) dst(%arg12 : memref<64xi32, #tpu.memory_space<vmem>>)
      %dma_start3A_92 = arith.constant 0 : i32
      %dma_start3A_93 = arith.constant 0 : i32
      %dma_start3A_94 = tpu.memref_slice %arg3[%dma_start3A_92, %dma_start3A_93] : memref<10000x128xf32, #tpu.memory_space<hbm>> -> memref<10000x128xf32, #tpu.memory_space<hbm>>
      tpu.enqueue_indirect_dma source(%dma_start3A_94 : memref<10000x128xf32, #tpu.memory_space<hbm>>) target(%arg26 : memref<64x128xf32, #tpu.memory_space<vmem>>) offsets(%arg12 : memref<64xi32, #tpu.memory_space<vmem>>) semaphore(%arg33 : memref<!tpu.dma_semaphore, #tpu.memory_space<semaphore_mem>>)
      %add3A_95 = arith.constant 128 : i32
      %add3A_96 = arith.addi %mul3A_8, %add3A_95 : i32
      %dma_wait3A_97 = tpu.memref_slice %arg6[%add3A_96] : memref<320000xi32, #tpu.memory_space<hbm>> -> memref<64xi32, #tpu.memory_space<hbm>>
      %dma_wait3A_98 = tpu.memref_slice %arg6[%add3A_96] : memref<320000xi32, #tpu.memory_space<hbm>> -> memref<64xi32, #tpu.memory_space<hbm>>
      tpu.wait_dma2 semaphore(%arg46 : memref<!tpu.dma_semaphore, #tpu.memory_space<semaphore_mem>>) src(%dma_wait3A_98 : memref<64xi32, #tpu.memory_space<hbm>>) dst(%arg13 : memref<64xi32, #tpu.memory_space<vmem>>)
      %dma_start3A_99 = arith.constant 0 : i32
      %dma_start3A_100 = arith.constant 0 : i32
      %dma_start3A_101 = tpu.memref_slice %arg3[%dma_start3A_99, %dma_start3A_100] : memref<10000x128xf32, #tpu.memory_space<hbm>> -> memref<10000x128xf32, #tpu.memory_space<hbm>>
      tpu.enqueue_indirect_dma source(%dma_start3A_101 : memref<10000x128xf32, #tpu.memory_space<hbm>>) target(%arg27 : memref<64x128xf32, #tpu.memory_space<vmem>>) offsets(%arg13 : memref<64xi32, #tpu.memory_space<vmem>>) semaphore(%arg34 : memref<!tpu.dma_semaphore, #tpu.memory_space<semaphore_mem>>)
    } else {
    }
    %mul3A_21 = arith.constant 624 : i32
    %mul3A_22 = arith.muli %arg1, %mul3A_21 : i32
    %dma_wait3A = arith.constant 0 : i32
    %dma_wait3A_23 = tpu.memref_slice %arg31[%mul3A_22, %dma_wait3A] : memref<10000x128xf32, #tpu.memory_space<vmem_shared>> -> memref<624x128xf32, #tpu.memory_space<vmem_shared>>
    tpu.wait_dma2 semaphore(%arg56 : memref<!tpu.dma_semaphore, #tpu.memory_space<semaphore_mem>>) src(%arg8 : memref<624x128xf32, #tpu.memory_space<hbm>>) dst(%dma_wait3A_23 : memref<624x128xf32, #tpu.memory_space<vmem_shared>>)
    %barrier3A = arith.constant 0 : index
    tpu.barrier barrier_id(%barrier3A)
    %eq3A_24 = arith.constant 0 : i32
    %eq3A_25 = arith.cmpi eq, %arg0, %eq3A_24 : i32
    %convert_element_type3A_26 = arith.extui %eq3A_25 : i1 to i32
    %cond3A_27 = arith.constant 0 : i32
    %cond3A_28 = arith.cmpi ne, %convert_element_type3A_26, %cond3A_27 : i32
    scf.if %cond3A_28 {
      %scan3A = arith.constant 0 : i32
      %scan3A_45 = arith.constant 52 : i32
      %scan3A_46 = arith.addi %scan3A, %scan3A_45 : i32
      %scan3A_47 = arith.constant 1 : i32
      scf.for %scan3A_74 = %scan3A to %scan3A_46 step %scan3A_47  : i32 {
        %mul3A_75 = arith.constant 6 : i32
        %mul3A_76 = arith.muli %scan3A_74, %mul3A_75 : i32
        %add3A_77 = arith.constant 0 : i32
        %add3A_78 = arith.addi %add3A_77, %mul3A_76 : i32
        %add3A_79 = arith.constant 0 : i32
        %add3A_80 = arith.addi %add3A_78, %add3A_79 : i32
        %gt3A = arith.constant 0 : i32
        %gt3A_81 = arith.cmpi sgt, %add3A_78, %gt3A : i32
        %convert_element_type3A_82 = arith.extui %gt3A_81 : i1 to i32
        %cond3A_83 = arith.constant 0 : i32
        %cond3A_84 = arith.cmpi ne, %convert_element_type3A_82, %cond3A_83 : i32
        scf.if %cond3A_84 {
          %dma_wait3A_292 = arith.constant 0 : i32
          %dma_wait3A_293 = arith.constant 0 : i32
          %dma_wait3A_294 = tpu.memref_slice %arg31[%dma_wait3A_292, %dma_wait3A_293] : memref<10000x128xf32, #tpu.memory_space<vmem_shared>> -> memref<10000x128xf32, #tpu.memory_space<vmem_shared>>
          tpu.wait_indirect_dma semaphore(%arg41 : memref<!tpu.dma_semaphore, #tpu.memory_space<semaphore_mem>>) src(%arg28 : memref<64x128xf32, #tpu.memory_space<vmem>>) dst(%dma_wait3A_294 : memref<10000x128xf32, #tpu.memory_space<vmem_shared>>)
        } else {
        }
        %add3A_85 = arith.constant 3 : i32
        %add3A_86 = arith.addi %add3A_80, %add3A_85 : i32
        %mul3A_87 = arith.constant 64 : i32
        %mul3A_88 = arith.muli %add3A_86, %mul3A_87 : i32
        %add3A_89 = arith.addi %mul3A_5, %mul3A_88 : i32
        %dma_wait3A_90 = tpu.memref_slice %arg4[%add3A_89] : memref<320000xi32, #tpu.memory_space<hbm>> -> memref<64xi32, #tpu.memory_space<hbm>>
        %dma_wait3A_91 = tpu.memref_slice %arg4[%add3A_89] : memref<320000xi32, #tpu.memory_space<hbm>> -> memref<64xi32, #tpu.memory_space<hbm>>
        tpu.wait_dma2 semaphore(%arg47 : memref<!tpu.dma_semaphore, #tpu.memory_space<semaphore_mem>>) src(%dma_wait3A_91 : memref<64xi32, #tpu.memory_space<hbm>>) dst(%arg14 : memref<64xi32, #tpu.memory_space<vmem>>)
        %dma_start3A_92 = arith.constant 0 : i32
        %dma_start3A_93 = arith.constant 0 : i32
        %dma_start3A_94 = tpu.memref_slice %arg2[%dma_start3A_92, %dma_start3A_93] : memref<10000x128xf32, #tpu.memory_space<hbm>> -> memref<10000x128xf32, #tpu.memory_space<hbm>>
        tpu.enqueue_indirect_dma source(%dma_start3A_94 : memref<10000x128xf32, #tpu.memory_space<hbm>>) target(%arg28 : memref<64x128xf32, #tpu.memory_space<vmem>>) offsets(%arg14 : memref<64xi32, #tpu.memory_space<vmem>>) semaphore(%arg35 : memref<!tpu.dma_semaphore, #tpu.memory_space<semaphore_mem>>)
        %dma_wait3A_95 = arith.constant 0 : i32
        %dma_wait3A_96 = arith.constant 0 : i32
        %dma_wait3A_97 = tpu.memref_slice %arg2[%dma_wait3A_95, %dma_wait3A_96] : memref<10000x128xf32, #tpu.memory_space<hbm>> -> memref<10000x128xf32, #tpu.memory_space<hbm>>
        tpu.wait_indirect_dma semaphore(%arg32 : memref<!tpu.dma_semaphore, #tpu.memory_space<semaphore_mem>>) src(%dma_wait3A_97 : memref<10000x128xf32, #tpu.memory_space<hbm>>) dst(%arg25 : memref<64x128xf32, #tpu.memory_space<vmem>>)
        %mul3A_98 = arith.constant 64 : i32
        %mul3A_99 = arith.muli %add3A_80, %mul3A_98 : i32
        %add3A_100 = arith.addi %mul3A_5, %mul3A_99 : i32
        %dma_wait3A_101 = tpu.memref_slice %arg5[%add3A_100] : memref<320000xi32, #tpu.memory_space<hbm>> -> memref<64xi32, #tpu.memory_space<hbm>>
        %dma_wait3A_102 = tpu.memref_slice %arg5[%add3A_100] : memref<320000xi32, #tpu.memory_space<hbm>> -> memref<64xi32, #tpu.memory_space<hbm>>
        tpu.wait_dma2 semaphore(%arg50 : memref<!tpu.dma_semaphore, #tpu.memory_space<semaphore_mem>>) src(%dma_wait3A_102 : memref<64xi32, #tpu.memory_space<hbm>>) dst(%arg17 : memref<64xi32, #tpu.memory_space<vmem>>)
        %dma_start3A_103 = arith.constant 0 : i32
        %dma_start3A_104 = arith.constant 0 : i32
        %dma_start3A_105 = tpu.memref_slice %arg31[%dma_start3A_103, %dma_start3A_104] : memref<10000x128xf32, #tpu.memory_space<vmem_shared>> -> memref<10000x128xf32, #tpu.memory_space<vmem_shared>>
        tpu.enqueue_indirect_dma source(%arg25 : memref<64x128xf32, #tpu.memory_space<vmem>>) target(%dma_start3A_105 : memref<10000x128xf32, #tpu.memory_space<vmem_shared>>) offsets(%arg17 : memref<64xi32, #tpu.memory_space<vmem>>) semaphore(%arg38 : memref<!tpu.dma_semaphore, #tpu.memory_space<semaphore_mem>>) {add = true}
        %add3A_106 = arith.constant 5 : i32
        %add3A_107 = arith.addi %add3A_80, %add3A_106 : i32
        %mul3A_108 = arith.constant 64 : i32
        %mul3A_109 = arith.muli %add3A_107, %mul3A_108 : i32
        %add3A_110 = arith.addi %mul3A_5, %mul3A_109 : i32
        %dma_start3A_111 = tpu.memref_slice %arg4[%add3A_110] : memref<320000xi32, #tpu.memory_space<hbm>> -> memref<64xi32, #tpu.memory_space<hbm>>
        %dma_start3A_112 = tpu.memref_slice %arg4[%add3A_110] : memref<320000xi32, #tpu.memory_space<hbm>> -> memref<64xi32, #tpu.memory_space<hbm>>
        tpu.enqueue_dma source(%dma_start3A_112 : memref<64xi32, #tpu.memory_space<hbm>>) target(%arg16 : memref<64xi32, #tpu.memory_space<vmem>>) target_semaphore(%arg49 : memref<!tpu.dma_semaphore, #tpu.memory_space<semaphore_mem>>)
        %add3A_113 = arith.constant 3 : i32
        %add3A_114 = arith.addi %add3A_80, %add3A_113 : i32
        %mul3A_115 = arith.constant 64 : i32
        %mul3A_116 = arith.muli %add3A_114, %mul3A_115 : i32
        %add3A_117 = arith.addi %mul3A_5, %mul3A_116 : i32
        %dma_start3A_118 = tpu.memref_slice %arg5[%add3A_117] : memref<320000xi32, #tpu.memory_space<hbm>> -> memref<64xi32, #tpu.memory_space<hbm>>
        %dma_start3A_119 = tpu.memref_slice %arg5[%add3A_117] : memref<320000xi32, #tpu.memory_space<hbm>> -> memref<64xi32, #tpu.memory_space<hbm>>
        tpu.enqueue_dma source(%dma_start3A_119 : memref<64xi32, #tpu.memory_space<hbm>>) target(%arg20 : memref<64xi32, #tpu.memory_space<vmem>>) target_semaphore(%arg53 : memref<!tpu.dma_semaphore, #tpu.memory_space<semaphore_mem>>)
        %add3A_120 = arith.constant 1 : i32
        %add3A_121 = arith.addi %add3A_78, %add3A_120 : i32
        %gt3A_122 = arith.constant 0 : i32
        %gt3A_123 = arith.cmpi sgt, %add3A_78, %gt3A_122 : i32
        %convert_element_type3A_124 = arith.extui %gt3A_123 : i1 to i32
        %cond3A_125 = arith.constant 0 : i32
        %cond3A_126 = arith.cmpi ne, %convert_element_type3A_124, %cond3A_125 : i32
        scf.if %cond3A_126 {
          %dma_wait3A_292 = arith.constant 0 : i32
          %dma_wait3A_293 = arith.constant 0 : i32
          %dma_wait3A_294 = tpu.memref_slice %arg31[%dma_wait3A_292, %dma_wait3A_293] : memref<10000x128xf32, #tpu.memory_space<vmem_shared>> -> memref<10000x128xf32, #tpu.memory_space<vmem_shared>>
          tpu.wait_indirect_dma semaphore(%arg42 : memref<!tpu.dma_semaphore, #tpu.memory_space<semaphore_mem>>) src(%arg29 : memref<64x128xf32, #tpu.memory_space<vmem>>) dst(%dma_wait3A_294 : memref<10000x128xf32, #tpu.memory_space<vmem_shared>>)
        } else {
        }
        %add3A_127 = arith.constant 3 : i32
        %add3A_128 = arith.addi %add3A_121, %add3A_127 : i32
        %mul3A_129 = arith.constant 64 : i32
        %mul3A_130 = arith.muli %add3A_128, %mul3A_129 : i32
        %add3A_131 = arith.addi %mul3A_5, %mul3A_130 : i32
        %dma_wait3A_132 = tpu.memref_slice %arg4[%add3A_131] : memref<320000xi32, #tpu.memory_space<hbm>> -> memref<64xi32, #tpu.memory_space<hbm>>
        %dma_wait3A_133 = tpu.memref_slice %arg4[%add3A_131] : memref<320000xi32, #tpu.memory_space<hbm>> -> memref<64xi32, #tpu.memory_space<hbm>>
        tpu.wait_dma2 semaphore(%arg48 : memref<!tpu.dma_semaphore, #tpu.memory_space<semaphore_mem>>) src(%dma_wait3A_133 : memref<64xi32, #tpu.memory_space<hbm>>) dst(%arg15 : memref<64xi32, #tpu.memory_space<vmem>>)
        %dma_start3A_134 = arith.constant 0 : i32
        %dma_start3A_135 = arith.constant 0 : i32
        %dma_start3A_136 = tpu.memref_slice %arg2[%dma_start3A_134, %dma_start3A_135] : memref<10000x128xf32, #tpu.memory_space<hbm>> -> memref<10000x128xf32, #tpu.memory_space<hbm>>
        tpu.enqueue_indirect_dma source(%dma_start3A_136 : memref<10000x128xf32, #tpu.memory_space<hbm>>) target(%arg29 : memref<64x128xf32, #tpu.memory_space<vmem>>) offsets(%arg15 : memref<64xi32, #tpu.memory_space<vmem>>) semaphore(%arg36 : memref<!tpu.dma_semaphore, #tpu.memory_space<semaphore_mem>>)
        %dma_wait3A_137 = arith.constant 0 : i32
        %dma_wait3A_138 = arith.constant 0 : i32
        %dma_wait3A_139 = tpu.memref_slice %arg2[%dma_wait3A_137, %dma_wait3A_138] : memref<10000x128xf32, #tpu.memory_space<hbm>> -> memref<10000x128xf32, #tpu.memory_space<hbm>>
        tpu.wait_indirect_dma semaphore(%arg33 : memref<!tpu.dma_semaphore, #tpu.memory_space<semaphore_mem>>) src(%dma_wait3A_139 : memref<10000x128xf32, #tpu.memory_space<hbm>>) dst(%arg26 : memref<64x128xf32, #tpu.memory_space<vmem>>)
        %mul3A_140 = arith.constant 64 : i32
        %mul3A_141 = arith.muli %add3A_121, %mul3A_140 : i32
        %add3A_142 = arith.addi %mul3A_5, %mul3A_141 : i32
        %dma_wait3A_143 = tpu.memref_slice %arg5[%add3A_142] : memref<320000xi32, #tpu.memory_space<hbm>> -> memref<64xi32, #tpu.memory_space<hbm>>
        %dma_wait3A_144 = tpu.memref_slice %arg5[%add3A_142] : memref<320000xi32, #tpu.memory_space<hbm>> -> memref<64xi32, #tpu.memory_space<hbm>>
        tpu.wait_dma2 semaphore(%arg51 : memref<!tpu.dma_semaphore, #tpu.memory_space<semaphore_mem>>) src(%dma_wait3A_144 : memref<64xi32, #tpu.memory_space<hbm>>) dst(%arg18 : memref<64xi32, #tpu.memory_space<vmem>>)
        %dma_start3A_145 = arith.constant 0 : i32
        %dma_start3A_146 = arith.constant 0 : i32
        %dma_start3A_147 = tpu.memref_slice %arg31[%dma_start3A_145, %dma_start3A_146] : memref<10000x128xf32, #tpu.memory_space<vmem_shared>> -> memref<10000x128xf32, #tpu.memory_space<vmem_shared>>
        tpu.enqueue_indirect_dma source(%arg26 : memref<64x128xf32, #tpu.memory_space<vmem>>) target(%dma_start3A_147 : memref<10000x128xf32, #tpu.memory_space<vmem_shared>>) offsets(%arg18 : memref<64xi32, #tpu.memory_space<vmem>>) semaphore(%arg39 : memref<!tpu.dma_semaphore, #tpu.memory_space<semaphore_mem>>) {add = true}
        %lt3A = arith.constant 306 : i32
        %lt3A_148 = arith.cmpi slt, %add3A_78, %lt3A : i32
        %convert_element_type3A_149 = arith.extui %lt3A_148 : i1 to i32
        %cond3A_150 = arith.constant 0 : i32
        %cond3A_151 = arith.cmpi ne, %convert_element_type3A_149, %cond3A_150 : i32
        scf.if %cond3A_151 {
          %add3A_292 = arith.constant 5 : i32
          %add3A_293 = arith.addi %add3A_121, %add3A_292 : i32
          %mul3A_294 = arith.constant 64 : i32
          %mul3A_295 = arith.muli %add3A_293, %mul3A_294 : i32
          %add3A_296 = arith.addi %mul3A_5, %mul3A_295 : i32
          %dma_start3A_297 = tpu.memref_slice %arg4[%add3A_296] : memref<320000xi32, #tpu.memory_space<hbm>> -> memref<64xi32, #tpu.memory_space<hbm>>
          %dma_start3A_298 = tpu.memref_slice %arg4[%add3A_296] : memref<320000xi32, #tpu.memory_space<hbm>> -> memref<64xi32, #tpu.memory_space<hbm>>
          tpu.enqueue_dma source(%dma_start3A_298 : memref<64xi32, #tpu.memory_space<hbm>>) target(%arg11 : memref<64xi32, #tpu.memory_space<vmem>>) target_semaphore(%arg44 : memref<!tpu.dma_semaphore, #tpu.memory_space<semaphore_mem>>)
        } else {
        }
        %add3A_152 = arith.constant 3 : i32
        %add3A_153 = arith.addi %add3A_121, %add3A_152 : i32
        %mul3A_154 = arith.constant 64 : i32
        %mul3A_155 = arith.muli %add3A_153, %mul3A_154 : i32
        %add3A_156 = arith.addi %mul3A_5, %mul3A_155 : i32
        %dma_start3A_157 = tpu.memref_slice %arg5[%add3A_156] : memref<320000xi32, #tpu.memory_space<hbm>> -> memref<64xi32, #tpu.memory_space<hbm>>
        %dma_start3A_158 = tpu.memref_slice %arg5[%add3A_156] : memref<320000xi32, #tpu.memory_space<hbm>> -> memref<64xi32, #tpu.memory_space<hbm>>
        tpu.enqueue_dma source(%dma_start3A_158 : memref<64xi32, #tpu.memory_space<hbm>>) target(%arg21 : memref<64xi32, #tpu.memory_space<vmem>>) target_semaphore(%arg54 : memref<!tpu.dma_semaphore, #tpu.memory_space<semaphore_mem>>)
        %add3A_159 = arith.constant 2 : i32
        %add3A_160 = arith.addi %add3A_78, %add3A_159 : i32
        %gt3A_161 = arith.constant 0 : i32
        %gt3A_162 = arith.cmpi sgt, %add3A_78, %gt3A_161 : i32
        %convert_element_type3A_163 = arith.extui %gt3A_162 : i1 to i32
        %cond3A_164 = arith.constant 0 : i32
        %cond3A_165 = arith.cmpi ne, %convert_element_type3A_163, %cond3A_164 : i32
        scf.if %cond3A_165 {
          %dma_wait3A_292 = arith.constant 0 : i32
          %dma_wait3A_293 = arith.constant 0 : i32
          %dma_wait3A_294 = tpu.memref_slice %arg31[%dma_wait3A_292, %dma_wait3A_293] : memref<10000x128xf32, #tpu.memory_space<vmem_shared>> -> memref<10000x128xf32, #tpu.memory_space<vmem_shared>>
          tpu.wait_indirect_dma semaphore(%arg43 : memref<!tpu.dma_semaphore, #tpu.memory_space<semaphore_mem>>) src(%arg30 : memref<64x128xf32, #tpu.memory_space<vmem>>) dst(%dma_wait3A_294 : memref<10000x128xf32, #tpu.memory_space<vmem_shared>>)
        } else {
        }
        %add3A_166 = arith.constant 3 : i32
        %add3A_167 = arith.addi %add3A_160, %add3A_166 : i32
        %mul3A_168 = arith.constant 64 : i32
        %mul3A_169 = arith.muli %add3A_167, %mul3A_168 : i32
        %add3A_170 = arith.addi %mul3A_5, %mul3A_169 : i32
        %dma_wait3A_171 = tpu.memref_slice %arg4[%add3A_170] : memref<320000xi32, #tpu.memory_space<hbm>> -> memref<64xi32, #tpu.memory_space<hbm>>
        %dma_wait3A_172 = tpu.memref_slice %arg4[%add3A_170] : memref<320000xi32, #tpu.memory_space<hbm>> -> memref<64xi32, #tpu.memory_space<hbm>>
        tpu.wait_dma2 semaphore(%arg49 : memref<!tpu.dma_semaphore, #tpu.memory_space<semaphore_mem>>) src(%dma_wait3A_172 : memref<64xi32, #tpu.memory_space<hbm>>) dst(%arg16 : memref<64xi32, #tpu.memory_space<vmem>>)
        %dma_start3A_173 = arith.constant 0 : i32
        %dma_start3A_174 = arith.constant 0 : i32
        %dma_start3A_175 = tpu.memref_slice %arg2[%dma_start3A_173, %dma_start3A_174] : memref<10000x128xf32, #tpu.memory_space<hbm>> -> memref<10000x128xf32, #tpu.memory_space<hbm>>
        tpu.enqueue_indirect_dma source(%dma_start3A_175 : memref<10000x128xf32, #tpu.memory_space<hbm>>) target(%arg30 : memref<64x128xf32, #tpu.memory_space<vmem>>) offsets(%arg16 : memref<64xi32, #tpu.memory_space<vmem>>) semaphore(%arg37 : memref<!tpu.dma_semaphore, #tpu.memory_space<semaphore_mem>>)
        %dma_wait3A_176 = arith.constant 0 : i32
        %dma_wait3A_177 = arith.constant 0 : i32
        %dma_wait3A_178 = tpu.memref_slice %arg2[%dma_wait3A_176, %dma_wait3A_177] : memref<10000x128xf32, #tpu.memory_space<hbm>> -> memref<10000x128xf32, #tpu.memory_space<hbm>>
        tpu.wait_indirect_dma semaphore(%arg34 : memref<!tpu.dma_semaphore, #tpu.memory_space<semaphore_mem>>) src(%dma_wait3A_178 : memref<10000x128xf32, #tpu.memory_space<hbm>>) dst(%arg27 : memref<64x128xf32, #tpu.memory_space<vmem>>)
        %mul3A_179 = arith.constant 64 : i32
        %mul3A_180 = arith.muli %add3A_160, %mul3A_179 : i32
        %add3A_181 = arith.addi %mul3A_5, %mul3A_180 : i32
        %dma_wait3A_182 = tpu.memref_slice %arg5[%add3A_181] : memref<320000xi32, #tpu.memory_space<hbm>> -> memref<64xi32, #tpu.memory_space<hbm>>
        %dma_wait3A_183 = tpu.memref_slice %arg5[%add3A_181] : memref<320000xi32, #tpu.memory_space<hbm>> -> memref<64xi32, #tpu.memory_space<hbm>>
        tpu.wait_dma2 semaphore(%arg52 : memref<!tpu.dma_semaphore, #tpu.memory_space<semaphore_mem>>) src(%dma_wait3A_183 : memref<64xi32, #tpu.memory_space<hbm>>) dst(%arg19 : memref<64xi32, #tpu.memory_space<vmem>>)
        %dma_start3A_184 = arith.constant 0 : i32
        %dma_start3A_185 = arith.constant 0 : i32
        %dma_start3A_186 = tpu.memref_slice %arg31[%dma_start3A_184, %dma_start3A_185] : memref<10000x128xf32, #tpu.memory_space<vmem_shared>> -> memref<10000x128xf32, #tpu.memory_space<vmem_shared>>
        tpu.enqueue_indirect_dma source(%arg27 : memref<64x128xf32, #tpu.memory_space<vmem>>) target(%dma_start3A_186 : memref<10000x128xf32, #tpu.memory_space<vmem_shared>>) offsets(%arg19 : memref<64xi32, #tpu.memory_space<vmem>>) semaphore(%arg40 : memref<!tpu.dma_semaphore, #tpu.memory_space<semaphore_mem>>) {add = true}
        %lt3A_187 = arith.constant 306 : i32
        %lt3A_188 = arith.cmpi slt, %add3A_78, %lt3A_187 : i32
        %convert_element_type3A_189 = arith.extui %lt3A_188 : i1 to i32
        %cond3A_190 = arith.constant 0 : i32
        %cond3A_191 = arith.cmpi ne, %convert_element_type3A_189, %cond3A_190 : i32
        scf.if %cond3A_191 {
          %add3A_292 = arith.constant 5 : i32
          %add3A_293 = arith.addi %add3A_160, %add3A_292 : i32
          %mul3A_294 = arith.constant 64 : i32
          %mul3A_295 = arith.muli %add3A_293, %mul3A_294 : i32
          %add3A_296 = arith.addi %mul3A_5, %mul3A_295 : i32
          %dma_start3A_297 = tpu.memref_slice %arg4[%add3A_296] : memref<320000xi32, #tpu.memory_space<hbm>> -> memref<64xi32, #tpu.memory_space<hbm>>
          %dma_start3A_298 = tpu.memref_slice %arg4[%add3A_296] : memref<320000xi32, #tpu.memory_space<hbm>> -> memref<64xi32, #tpu.memory_space<hbm>>
          tpu.enqueue_dma source(%dma_start3A_298 : memref<64xi32, #tpu.memory_space<hbm>>) target(%arg12 : memref<64xi32, #tpu.memory_space<vmem>>) target_semaphore(%arg45 : memref<!tpu.dma_semaphore, #tpu.memory_space<semaphore_mem>>)
        } else {
        }
        %add3A_192 = arith.constant 3 : i32
        %add3A_193 = arith.addi %add3A_160, %add3A_192 : i32
        %mul3A_194 = arith.constant 64 : i32
        %mul3A_195 = arith.muli %add3A_193, %mul3A_194 : i32
        %add3A_196 = arith.addi %mul3A_5, %mul3A_195 : i32
        %dma_start3A_197 = tpu.memref_slice %arg5[%add3A_196] : memref<320000xi32, #tpu.memory_space<hbm>> -> memref<64xi32, #tpu.memory_space<hbm>>
        %dma_start3A_198 = tpu.memref_slice %arg5[%add3A_196] : memref<320000xi32, #tpu.memory_space<hbm>> -> memref<64xi32, #tpu.memory_space<hbm>>
        tpu.enqueue_dma source(%dma_start3A_198 : memref<64xi32, #tpu.memory_space<hbm>>) target(%arg22 : memref<64xi32, #tpu.memory_space<vmem>>) target_semaphore(%arg55 : memref<!tpu.dma_semaphore, #tpu.memory_space<semaphore_mem>>)
        %add3A_199 = arith.constant 3 : i32
        %add3A_200 = arith.addi %add3A_78, %add3A_199 : i32
        %dma_wait3A_201 = arith.constant 0 : i32
        %dma_wait3A_202 = arith.constant 0 : i32
        %dma_wait3A_203 = tpu.memref_slice %arg31[%dma_wait3A_201, %dma_wait3A_202] : memref<10000x128xf32, #tpu.memory_space<vmem_shared>> -> memref<10000x128xf32, #tpu.memory_space<vmem_shared>>
        tpu.wait_indirect_dma semaphore(%arg38 : memref<!tpu.dma_semaphore, #tpu.memory_space<semaphore_mem>>) src(%arg25 : memref<64x128xf32, #tpu.memory_space<vmem>>) dst(%dma_wait3A_203 : memref<10000x128xf32, #tpu.memory_space<vmem_shared>>)
        %lt3A_204 = arith.constant 306 : i32
        %lt3A_205 = arith.cmpi slt, %add3A_78, %lt3A_204 : i32
        %convert_element_type3A_206 = arith.extui %lt3A_205 : i1 to i32
        %cond3A_207 = arith.constant 0 : i32
        %cond3A_208 = arith.cmpi ne, %convert_element_type3A_206, %cond3A_207 : i32
        scf.if %cond3A_208 {
          %add3A_292 = arith.constant 3 : i32
          %add3A_293 = arith.addi %add3A_200, %add3A_292 : i32
          %mul3A_294 = arith.constant 64 : i32
          %mul3A_295 = arith.muli %add3A_293, %mul3A_294 : i32
          %add3A_296 = arith.addi %mul3A_5, %mul3A_295 : i32
          %dma_wait3A_297 = tpu.memref_slice %arg4[%add3A_296] : memref<320000xi32, #tpu.memory_space<hbm>> -> memref<64xi32, #tpu.memory_space<hbm>>
          %dma_wait3A_298 = tpu.memref_slice %arg4[%add3A_296] : memref<320000xi32, #tpu.memory_space<hbm>> -> memref<64xi32, #tpu.memory_space<hbm>>
          tpu.wait_dma2 semaphore(%arg44 : memref<!tpu.dma_semaphore, #tpu.memory_space<semaphore_mem>>) src(%dma_wait3A_298 : memref<64xi32, #tpu.memory_space<hbm>>) dst(%arg11 : memref<64xi32, #tpu.memory_space<vmem>>)
          %dma_start3A_299 = arith.constant 0 : i32
          %dma_start3A_300 = arith.constant 0 : i32
          %dma_start3A_301 = tpu.memref_slice %arg2[%dma_start3A_299, %dma_start3A_300] : memref<10000x128xf32, #tpu.memory_space<hbm>> -> memref<10000x128xf32, #tpu.memory_space<hbm>>
          tpu.enqueue_indirect_dma source(%dma_start3A_301 : memref<10000x128xf32, #tpu.memory_space<hbm>>) target(%arg25 : memref<64x128xf32, #tpu.memory_space<vmem>>) offsets(%arg11 : memref<64xi32, #tpu.memory_space<vmem>>) semaphore(%arg32 : memref<!tpu.dma_semaphore, #tpu.memory_space<semaphore_mem>>)
        } else {
        }
        %dma_wait3A_209 = arith.constant 0 : i32
        %dma_wait3A_210 = arith.constant 0 : i32
        %dma_wait3A_211 = tpu.memref_slice %arg2[%dma_wait3A_209, %dma_wait3A_210] : memref<10000x128xf32, #tpu.memory_space<hbm>> -> memref<10000x128xf32, #tpu.memory_space<hbm>>
        tpu.wait_indirect_dma semaphore(%arg35 : memref<!tpu.dma_semaphore, #tpu.memory_space<semaphore_mem>>) src(%dma_wait3A_211 : memref<10000x128xf32, #tpu.memory_space<hbm>>) dst(%arg28 : memref<64x128xf32, #tpu.memory_space<vmem>>)
        %mul3A_212 = arith.constant 64 : i32
        %mul3A_213 = arith.muli %add3A_200, %mul3A_212 : i32
        %add3A_214 = arith.addi %mul3A_5, %mul3A_213 : i32
        %dma_wait3A_215 = tpu.memref_slice %arg5[%add3A_214] : memref<320000xi32, #tpu.memory_space<hbm>> -> memref<64xi32, #tpu.memory_space<hbm>>
        %dma_wait3A_216 = tpu.memref_slice %arg5[%add3A_214] : memref<320000xi32, #tpu.memory_space<hbm>> -> memref<64xi32, #tpu.memory_space<hbm>>
        tpu.wait_dma2 semaphore(%arg53 : memref<!tpu.dma_semaphore, #tpu.memory_space<semaphore_mem>>) src(%dma_wait3A_216 : memref<64xi32, #tpu.memory_space<hbm>>) dst(%arg20 : memref<64xi32, #tpu.memory_space<vmem>>)
        %dma_start3A_217 = arith.constant 0 : i32
        %dma_start3A_218 = arith.constant 0 : i32
        %dma_start3A_219 = tpu.memref_slice %arg31[%dma_start3A_217, %dma_start3A_218] : memref<10000x128xf32, #tpu.memory_space<vmem_shared>> -> memref<10000x128xf32, #tpu.memory_space<vmem_shared>>
        tpu.enqueue_indirect_dma source(%arg28 : memref<64x128xf32, #tpu.memory_space<vmem>>) target(%dma_start3A_219 : memref<10000x128xf32, #tpu.memory_space<vmem_shared>>) offsets(%arg20 : memref<64xi32, #tpu.memory_space<vmem>>) semaphore(%arg41 : memref<!tpu.dma_semaphore, #tpu.memory_space<semaphore_mem>>) {add = true}
        %lt3A_220 = arith.constant 306 : i32
        %lt3A_221 = arith.cmpi slt, %add3A_78, %lt3A_220 : i32
        %convert_element_type3A_222 = arith.extui %lt3A_221 : i1 to i32
        %cond3A_223 = arith.constant 0 : i32
        %cond3A_224 = arith.cmpi ne, %convert_element_type3A_222, %cond3A_223 : i32
        scf.if %cond3A_224 {
          %add3A_292 = arith.constant 5 : i32
          %add3A_293 = arith.addi %add3A_200, %add3A_292 : i32
          %mul3A_294 = arith.constant 64 : i32
          %mul3A_295 = arith.muli %add3A_293, %mul3A_294 : i32
          %add3A_296 = arith.addi %mul3A_5, %mul3A_295 : i32
          %dma_start3A_297 = tpu.memref_slice %arg4[%add3A_296] : memref<320000xi32, #tpu.memory_space<hbm>> -> memref<64xi32, #tpu.memory_space<hbm>>
          %dma_start3A_298 = tpu.memref_slice %arg4[%add3A_296] : memref<320000xi32, #tpu.memory_space<hbm>> -> memref<64xi32, #tpu.memory_space<hbm>>
          tpu.enqueue_dma source(%dma_start3A_298 : memref<64xi32, #tpu.memory_space<hbm>>) target(%arg13 : memref<64xi32, #tpu.memory_space<vmem>>) target_semaphore(%arg46 : memref<!tpu.dma_semaphore, #tpu.memory_space<semaphore_mem>>)
        } else {
        }
        %lt3A_225 = arith.constant 306 : i32
        %lt3A_226 = arith.cmpi slt, %add3A_78, %lt3A_225 : i32
        %convert_element_type3A_227 = arith.extui %lt3A_226 : i1 to i32
        %cond3A_228 = arith.constant 0 : i32
        %cond3A_229 = arith.cmpi ne, %convert_element_type3A_227, %cond3A_228 : i32
        scf.if %cond3A_229 {
          %add3A_292 = arith.constant 3 : i32
          %add3A_293 = arith.addi %add3A_200, %add3A_292 : i32
          %mul3A_294 = arith.constant 64 : i32
          %mul3A_295 = arith.muli %add3A_293, %mul3A_294 : i32
          %add3A_296 = arith.addi %mul3A_5, %mul3A_295 : i32
          %dma_start3A_297 = tpu.memref_slice %arg5[%add3A_296] : memref<320000xi32, #tpu.memory_space<hbm>> -> memref<64xi32, #tpu.memory_space<hbm>>
          %dma_start3A_298 = tpu.memref_slice %arg5[%add3A_296] : memref<320000xi32, #tpu.memory_space<hbm>> -> memref<64xi32, #tpu.memory_space<hbm>>
          tpu.enqueue_dma source(%dma_start3A_298 : memref<64xi32, #tpu.memory_space<hbm>>) target(%arg17 : memref<64xi32, #tpu.memory_space<vmem>>) target_semaphore(%arg50 : memref<!tpu.dma_semaphore, #tpu.memory_space<semaphore_mem>>)
        } else {
        }
        %add3A_230 = arith.constant 4 : i32
        %add3A_231 = arith.addi %add3A_78, %add3A_230 : i32
        %dma_wait3A_232 = arith.constant 0 : i32
        %dma_wait3A_233 = arith.constant 0 : i32
        %dma_wait3A_234 = tpu.memref_slice %arg31[%dma_wait3A_232, %dma_wait3A_233] : memref<10000x128xf32, #tpu.memory_space<vmem_shared>> -> memref<10000x128xf32, #tpu.memory_space<vmem_shared>>
        tpu.wait_indirect_dma semaphore(%arg39 : memref<!tpu.dma_semaphore, #tpu.memory_space<semaphore_mem>>) src(%arg26 : memref<64x128xf32, #tpu.memory_space<vmem>>) dst(%dma_wait3A_234 : memref<10000x128xf32, #tpu.memory_space<vmem_shared>>)
        %lt3A_235 = arith.constant 306 : i32
        %lt3A_236 = arith.cmpi slt, %add3A_78, %lt3A_235 : i32
        %convert_element_type3A_237 = arith.extui %lt3A_236 : i1 to i32
        %cond3A_238 = arith.constant 0 : i32
        %cond3A_239 = arith.cmpi ne, %convert_element_type3A_237, %cond3A_238 : i32
        scf.if %cond3A_239 {
          %add3A_292 = arith.constant 3 : i32
          %add3A_293 = arith.addi %add3A_231, %add3A_292 : i32
          %mul3A_294 = arith.constant 64 : i32
          %mul3A_295 = arith.muli %add3A_293, %mul3A_294 : i32
          %add3A_296 = arith.addi %mul3A_5, %mul3A_295 : i32
          %dma_wait3A_297 = tpu.memref_slice %arg4[%add3A_296] : memref<320000xi32, #tpu.memory_space<hbm>> -> memref<64xi32, #tpu.memory_space<hbm>>
          %dma_wait3A_298 = tpu.memref_slice %arg4[%add3A_296] : memref<320000xi32, #tpu.memory_space<hbm>> -> memref<64xi32, #tpu.memory_space<hbm>>
          tpu.wait_dma2 semaphore(%arg45 : memref<!tpu.dma_semaphore, #tpu.memory_space<semaphore_mem>>) src(%dma_wait3A_298 : memref<64xi32, #tpu.memory_space<hbm>>) dst(%arg12 : memref<64xi32, #tpu.memory_space<vmem>>)
          %dma_start3A_299 = arith.constant 0 : i32
          %dma_start3A_300 = arith.constant 0 : i32
          %dma_start3A_301 = tpu.memref_slice %arg2[%dma_start3A_299, %dma_start3A_300] : memref<10000x128xf32, #tpu.memory_space<hbm>> -> memref<10000x128xf32, #tpu.memory_space<hbm>>
          tpu.enqueue_indirect_dma source(%dma_start3A_301 : memref<10000x128xf32, #tpu.memory_space<hbm>>) target(%arg26 : memref<64x128xf32, #tpu.memory_space<vmem>>) offsets(%arg12 : memref<64xi32, #tpu.memory_space<vmem>>) semaphore(%arg33 : memref<!tpu.dma_semaphore, #tpu.memory_space<semaphore_mem>>)
        } else {
        }
        %dma_wait3A_240 = arith.constant 0 : i32
        %dma_wait3A_241 = arith.constant 0 : i32
        %dma_wait3A_242 = tpu.memref_slice %arg2[%dma_wait3A_240, %dma_wait3A_241] : memref<10000x128xf32, #tpu.memory_space<hbm>> -> memref<10000x128xf32, #tpu.memory_space<hbm>>
        tpu.wait_indirect_dma semaphore(%arg36 : memref<!tpu.dma_semaphore, #tpu.memory_space<semaphore_mem>>) src(%dma_wait3A_242 : memref<10000x128xf32, #tpu.memory_space<hbm>>) dst(%arg29 : memref<64x128xf32, #tpu.memory_space<vmem>>)
        %mul3A_243 = arith.constant 64 : i32
        %mul3A_244 = arith.muli %add3A_231, %mul3A_243 : i32
        %add3A_245 = arith.addi %mul3A_5, %mul3A_244 : i32
        %dma_wait3A_246 = tpu.memref_slice %arg5[%add3A_245] : memref<320000xi32, #tpu.memory_space<hbm>> -> memref<64xi32, #tpu.memory_space<hbm>>
        %dma_wait3A_247 = tpu.memref_slice %arg5[%add3A_245] : memref<320000xi32, #tpu.memory_space<hbm>> -> memref<64xi32, #tpu.memory_space<hbm>>
        tpu.wait_dma2 semaphore(%arg54 : memref<!tpu.dma_semaphore, #tpu.memory_space<semaphore_mem>>) src(%dma_wait3A_247 : memref<64xi32, #tpu.memory_space<hbm>>) dst(%arg21 : memref<64xi32, #tpu.memory_space<vmem>>)
        %dma_start3A_248 = arith.constant 0 : i32
        %dma_start3A_249 = arith.constant 0 : i32
        %dma_start3A_250 = tpu.memref_slice %arg31[%dma_start3A_248, %dma_start3A_249] : memref<10000x128xf32, #tpu.memory_space<vmem_shared>> -> memref<10000x128xf32, #tpu.memory_space<vmem_shared>>
        tpu.enqueue_indirect_dma source(%arg29 : memref<64x128xf32, #tpu.memory_space<vmem>>) target(%dma_start3A_250 : memref<10000x128xf32, #tpu.memory_space<vmem_shared>>) offsets(%arg21 : memref<64xi32, #tpu.memory_space<vmem>>) semaphore(%arg42 : memref<!tpu.dma_semaphore, #tpu.memory_space<semaphore_mem>>) {add = true}
        %lt3A_251 = arith.constant 306 : i32
        %lt3A_252 = arith.cmpi slt, %add3A_78, %lt3A_251 : i32
        %convert_element_type3A_253 = arith.extui %lt3A_252 : i1 to i32
        %cond3A_254 = arith.constant 0 : i32
        %cond3A_255 = arith.cmpi ne, %convert_element_type3A_253, %cond3A_254 : i32
        scf.if %cond3A_255 {
          %add3A_292 = arith.constant 5 : i32
          %add3A_293 = arith.addi %add3A_231, %add3A_292 : i32
          %mul3A_294 = arith.constant 64 : i32
          %mul3A_295 = arith.muli %add3A_293, %mul3A_294 : i32
          %add3A_296 = arith.addi %mul3A_5, %mul3A_295 : i32
          %dma_start3A_297 = tpu.memref_slice %arg4[%add3A_296] : memref<320000xi32, #tpu.memory_space<hbm>> -> memref<64xi32, #tpu.memory_space<hbm>>
          %dma_start3A_298 = tpu.memref_slice %arg4[%add3A_296] : memref<320000xi32, #tpu.memory_space<hbm>> -> memref<64xi32, #tpu.memory_space<hbm>>
          tpu.enqueue_dma source(%dma_start3A_298 : memref<64xi32, #tpu.memory_space<hbm>>) target(%arg14 : memref<64xi32, #tpu.memory_space<vmem>>) target_semaphore(%arg47 : memref<!tpu.dma_semaphore, #tpu.memory_space<semaphore_mem>>)
        } else {
        }
        %lt3A_256 = arith.constant 306 : i32
        %lt3A_257 = arith.cmpi slt, %add3A_78, %lt3A_256 : i32
        %convert_element_type3A_258 = arith.extui %lt3A_257 : i1 to i32
        %cond3A_259 = arith.constant 0 : i32
        %cond3A_260 = arith.cmpi ne, %convert_element_type3A_258, %cond3A_259 : i32
        scf.if %cond3A_260 {
          %add3A_292 = arith.constant 3 : i32
          %add3A_293 = arith.addi %add3A_231, %add3A_292 : i32
          %mul3A_294 = arith.constant 64 : i32
          %mul3A_295 = arith.muli %add3A_293, %mul3A_294 : i32
          %add3A_296 = arith.addi %mul3A_5, %mul3A_295 : i32
          %dma_start3A_297 = tpu.memref_slice %arg5[%add3A_296] : memref<320000xi32, #tpu.memory_space<hbm>> -> memref<64xi32, #tpu.memory_space<hbm>>
          %dma_start3A_298 = tpu.memref_slice %arg5[%add3A_296] : memref<320000xi32, #tpu.memory_space<hbm>> -> memref<64xi32, #tpu.memory_space<hbm>>
          tpu.enqueue_dma source(%dma_start3A_298 : memref<64xi32, #tpu.memory_space<hbm>>) target(%arg18 : memref<64xi32, #tpu.memory_space<vmem>>) target_semaphore(%arg51 : memref<!tpu.dma_semaphore, #tpu.memory_space<semaphore_mem>>)
        } else {
        }
        %add3A_261 = arith.constant 5 : i32
        %add3A_262 = arith.addi %add3A_78, %add3A_261 : i32
        %dma_wait3A_263 = arith.constant 0 : i32
        %dma_wait3A_264 = arith.constant 0 : i32
        %dma_wait3A_265 = tpu.memref_slice %arg31[%dma_wait3A_263, %dma_wait3A_264] : memref<10000x128xf32, #tpu.memory_space<vmem_shared>> -> memref<10000x128xf32, #tpu.memory_space<vmem_shared>>
        tpu.wait_indirect_dma semaphore(%arg40 : memref<!tpu.dma_semaphore, #tpu.memory_space<semaphore_mem>>) src(%arg27 : memref<64x128xf32, #tpu.memory_space<vmem>>) dst(%dma_wait3A_265 : memref<10000x128xf32, #tpu.memory_space<vmem_shared>>)
        %lt3A_266 = arith.constant 306 : i32
        %lt3A_267 = arith.cmpi slt, %add3A_78, %lt3A_266 : i32
        %convert_element_type3A_268 = arith.extui %lt3A_267 : i1 to i32
        %cond3A_269 = arith.constant 0 : i32
        %cond3A_270 = arith.cmpi ne, %convert_element_type3A_268, %cond3A_269 : i32
        scf.if %cond3A_270 {
          %add3A_292 = arith.constant 3 : i32
          %add3A_293 = arith.addi %add3A_262, %add3A_292 : i32
          %mul3A_294 = arith.constant 64 : i32
          %mul3A_295 = arith.muli %add3A_293, %mul3A_294 : i32
          %add3A_296 = arith.addi %mul3A_5, %mul3A_295 : i32
          %dma_wait3A_297 = tpu.memref_slice %arg4[%add3A_296] : memref<320000xi32, #tpu.memory_space<hbm>> -> memref<64xi32, #tpu.memory_space<hbm>>
          %dma_wait3A_298 = tpu.memref_slice %arg4[%add3A_296] : memref<320000xi32, #tpu.memory_space<hbm>> -> memref<64xi32, #tpu.memory_space<hbm>>
          tpu.wait_dma2 semaphore(%arg46 : memref<!tpu.dma_semaphore, #tpu.memory_space<semaphore_mem>>) src(%dma_wait3A_298 : memref<64xi32, #tpu.memory_space<hbm>>) dst(%arg13 : memref<64xi32, #tpu.memory_space<vmem>>)
          %dma_start3A_299 = arith.constant 0 : i32
          %dma_start3A_300 = arith.constant 0 : i32
          %dma_start3A_301 = tpu.memref_slice %arg2[%dma_start3A_299, %dma_start3A_300] : memref<10000x128xf32, #tpu.memory_space<hbm>> -> memref<10000x128xf32, #tpu.memory_space<hbm>>
          tpu.enqueue_indirect_dma source(%dma_start3A_301 : memref<10000x128xf32, #tpu.memory_space<hbm>>) target(%arg27 : memref<64x128xf32, #tpu.memory_space<vmem>>) offsets(%arg13 : memref<64xi32, #tpu.memory_space<vmem>>) semaphore(%arg34 : memref<!tpu.dma_semaphore, #tpu.memory_space<semaphore_mem>>)
        } else {
        }
        %dma_wait3A_271 = arith.constant 0 : i32
        %dma_wait3A_272 = arith.constant 0 : i32
        %dma_wait3A_273 = tpu.memref_slice %arg2[%dma_wait3A_271, %dma_wait3A_272] : memref<10000x128xf32, #tpu.memory_space<hbm>> -> memref<10000x128xf32, #tpu.memory_space<hbm>>
        tpu.wait_indirect_dma semaphore(%arg37 : memref<!tpu.dma_semaphore, #tpu.memory_space<semaphore_mem>>) src(%dma_wait3A_273 : memref<10000x128xf32, #tpu.memory_space<hbm>>) dst(%arg30 : memref<64x128xf32, #tpu.memory_space<vmem>>)
        %mul3A_274 = arith.constant 64 : i32
        %mul3A_275 = arith.muli %add3A_262, %mul3A_274 : i32
        %add3A_276 = arith.addi %mul3A_5, %mul3A_275 : i32
        %dma_wait3A_277 = tpu.memref_slice %arg5[%add3A_276] : memref<320000xi32, #tpu.memory_space<hbm>> -> memref<64xi32, #tpu.memory_space<hbm>>
        %dma_wait3A_278 = tpu.memref_slice %arg5[%add3A_276] : memref<320000xi32, #tpu.memory_space<hbm>> -> memref<64xi32, #tpu.memory_space<hbm>>
        tpu.wait_dma2 semaphore(%arg55 : memref<!tpu.dma_semaphore, #tpu.memory_space<semaphore_mem>>) src(%dma_wait3A_278 : memref<64xi32, #tpu.memory_space<hbm>>) dst(%arg22 : memref<64xi32, #tpu.memory_space<vmem>>)
        %dma_start3A_279 = arith.constant 0 : i32
        %dma_start3A_280 = arith.constant 0 : i32
        %dma_start3A_281 = tpu.memref_slice %arg31[%dma_start3A_279, %dma_start3A_280] : memref<10000x128xf32, #tpu.memory_space<vmem_shared>> -> memref<10000x128xf32, #tpu.memory_space<vmem_shared>>
        tpu.enqueue_indirect_dma source(%arg30 : memref<64x128xf32, #tpu.memory_space<vmem>>) target(%dma_start3A_281 : memref<10000x128xf32, #tpu.memory_space<vmem_shared>>) offsets(%arg22 : memref<64xi32, #tpu.memory_space<vmem>>) semaphore(%arg43 : memref<!tpu.dma_semaphore, #tpu.memory_space<semaphore_mem>>) {add = true}
        %lt3A_282 = arith.constant 306 : i32
        %lt3A_283 = arith.cmpi slt, %add3A_78, %lt3A_282 : i32
        %convert_element_type3A_284 = arith.extui %lt3A_283 : i1 to i32
        %cond3A_285 = arith.constant 0 : i32
        %cond3A_286 = arith.cmpi ne, %convert_element_type3A_284, %cond3A_285 : i32
        scf.if %cond3A_286 {
          %add3A_292 = arith.constant 5 : i32
          %add3A_293 = arith.addi %add3A_262, %add3A_292 : i32
          %mul3A_294 = arith.constant 64 : i32
          %mul3A_295 = arith.muli %add3A_293, %mul3A_294 : i32
          %add3A_296 = arith.addi %mul3A_5, %mul3A_295 : i32
          %dma_start3A_297 = tpu.memref_slice %arg4[%add3A_296] : memref<320000xi32, #tpu.memory_space<hbm>> -> memref<64xi32, #tpu.memory_space<hbm>>
          %dma_start3A_298 = tpu.memref_slice %arg4[%add3A_296] : memref<320000xi32, #tpu.memory_space<hbm>> -> memref<64xi32, #tpu.memory_space<hbm>>
          tpu.enqueue_dma source(%dma_start3A_298 : memref<64xi32, #tpu.memory_space<hbm>>) target(%arg15 : memref<64xi32, #tpu.memory_space<vmem>>) target_semaphore(%arg48 : memref<!tpu.dma_semaphore, #tpu.memory_space<semaphore_mem>>)
        } else {
        }
        %lt3A_287 = arith.constant 306 : i32
        %lt3A_288 = arith.cmpi slt, %add3A_78, %lt3A_287 : i32
        %convert_element_type3A_289 = arith.extui %lt3A_288 : i1 to i32
        %cond3A_290 = arith.constant 0 : i32
        %cond3A_291 = arith.cmpi ne, %convert_element_type3A_289, %cond3A_290 : i32
        scf.if %cond3A_291 {
          %add3A_292 = arith.constant 3 : i32
          %add3A_293 = arith.addi %add3A_262, %add3A_292 : i32
          %mul3A_294 = arith.constant 64 : i32
          %mul3A_295 = arith.muli %add3A_293, %mul3A_294 : i32
          %add3A_296 = arith.addi %mul3A_5, %mul3A_295 : i32
          %dma_start3A_297 = tpu.memref_slice %arg5[%add3A_296] : memref<320000xi32, #tpu.memory_space<hbm>> -> memref<64xi32, #tpu.memory_space<hbm>>
          %dma_start3A_298 = tpu.memref_slice %arg5[%add3A_296] : memref<320000xi32, #tpu.memory_space<hbm>> -> memref<64xi32, #tpu.memory_space<hbm>>
          tpu.enqueue_dma source(%dma_start3A_298 : memref<64xi32, #tpu.memory_space<hbm>>) target(%arg19 : memref<64xi32, #tpu.memory_space<vmem>>) target_semaphore(%arg52 : memref<!tpu.dma_semaphore, #tpu.memory_space<semaphore_mem>>)
        } else {
        }
      }
      %scan3A_48 = arith.constant 52 : i32
      %dma_wait3A_49 = arith.constant 0 : i32
      %dma_wait3A_50 = arith.constant 0 : i32
      %dma_wait3A_51 = tpu.memref_slice %arg31[%dma_wait3A_49, %dma_wait3A_50] : memref<10000x128xf32, #tpu.memory_space<vmem_shared>> -> memref<10000x128xf32, #tpu.memory_space<vmem_shared>>
      tpu.wait_indirect_dma semaphore(%arg41 : memref<!tpu.dma_semaphore, #tpu.memory_space<semaphore_mem>>) src(%arg28 : memref<64x128xf32, #tpu.memory_space<vmem>>) dst(%dma_wait3A_51 : memref<10000x128xf32, #tpu.memory_space<vmem_shared>>)
      %dma_wait3A_52 = arith.constant 0 : i32
      %dma_wait3A_53 = arith.constant 0 : i32
      %dma_wait3A_54 = tpu.memref_slice %arg31[%dma_wait3A_52, %dma_wait3A_53] : memref<10000x128xf32, #tpu.memory_space<vmem_shared>> -> memref<10000x128xf32, #tpu.memory_space<vmem_shared>>
      tpu.wait_indirect_dma semaphore(%arg42 : memref<!tpu.dma_semaphore, #tpu.memory_space<semaphore_mem>>) src(%arg29 : memref<64x128xf32, #tpu.memory_space<vmem>>) dst(%dma_wait3A_54 : memref<10000x128xf32, #tpu.memory_space<vmem_shared>>)
      %dma_wait3A_55 = arith.constant 0 : i32
      %dma_wait3A_56 = arith.constant 0 : i32
      %dma_wait3A_57 = tpu.memref_slice %arg31[%dma_wait3A_55, %dma_wait3A_56] : memref<10000x128xf32, #tpu.memory_space<vmem_shared>> -> memref<10000x128xf32, #tpu.memory_space<vmem_shared>>
      tpu.wait_indirect_dma semaphore(%arg43 : memref<!tpu.dma_semaphore, #tpu.memory_space<semaphore_mem>>) src(%arg30 : memref<64x128xf32, #tpu.memory_space<vmem>>) dst(%dma_wait3A_57 : memref<10000x128xf32, #tpu.memory_space<vmem_shared>>)
      %dma_wait3A_58 = tpu.memref_slice %arg4[%add3A_6] : memref<320000xi32, #tpu.memory_space<hbm>> -> memref<32xi32, #tpu.memory_space<hbm>>
      %dma_wait3A_59 = tpu.memref_slice %arg4[%add3A_6] : memref<320000xi32, #tpu.memory_space<hbm>> -> memref<32xi32, #tpu.memory_space<hbm>>
      tpu.wait_dma2 semaphore(%arg57 : memref<!tpu.dma_semaphore, #tpu.memory_space<semaphore_mem>>) src(%dma_wait3A_59 : memref<32xi32, #tpu.memory_space<hbm>>) dst(%arg23 : memref<32xi32, #tpu.memory_space<vmem>>)
      %dma_wait3A_60 = tpu.memref_slice %arg5[%add3A_6] : memref<320000xi32, #tpu.memory_space<hbm>> -> memref<32xi32, #tpu.memory_space<hbm>>
      %dma_wait3A_61 = tpu.memref_slice %arg5[%add3A_6] : memref<320000xi32, #tpu.memory_space<hbm>> -> memref<32xi32, #tpu.memory_space<hbm>>
      tpu.wait_dma2 semaphore(%arg58 : memref<!tpu.dma_semaphore, #tpu.memory_space<semaphore_mem>>) src(%dma_wait3A_61 : memref<32xi32, #tpu.memory_space<hbm>>) dst(%arg24 : memref<32xi32, #tpu.memory_space<vmem>>)
      %dma_start3A_62 = arith.constant 0 : i32
      %dma_start3A_63 = arith.constant 0 : i32
      %dma_start3A_64 = tpu.memref_slice %arg25[%dma_start3A_62, %dma_start3A_63] : memref<64x128xf32, #tpu.memory_space<vmem>> -> memref<32x128xf32, #tpu.memory_space<vmem>>
      %dma_start3A_65 = arith.constant 0 : i32
      %dma_start3A_66 = arith.constant 0 : i32
      %dma_start3A_67 = tpu.memref_slice %arg2[%dma_start3A_65, %dma_start3A_66] : memref<10000x128xf32, #tpu.memory_space<hbm>> -> memref<10000x128xf32, #tpu.memory_space<hbm>>
      tpu.enqueue_indirect_dma source(%dma_start3A_67 : memref<10000x128xf32, #tpu.memory_space<hbm>>) target(%dma_start3A_64 : memref<32x128xf32, #tpu.memory_space<vmem>>) offsets(%arg23 : memref<32xi32, #tpu.memory_space<vmem>>) semaphore(%arg32 : memref<!tpu.dma_semaphore, #tpu.memory_space<semaphore_mem>>)
      %dma_wait3A_68 = arith.constant 0 : i32
      %dma_wait3A_69 = arith.constant 0 : i32
      %dma_wait3A_70 = tpu.memref_slice %arg25[%dma_wait3A_68, %dma_wait3A_69] : memref<64x128xf32, #tpu.memory_space<vmem>> -> memref<32x128xf32, #tpu.memory_space<vmem>>
      %dma_wait3A_71 = arith.constant 0 : i32
      %dma_wait3A_72 = arith.constant 0 : i32
      %dma_wait3A_73 = tpu.memref_slice %arg2[%dma_wait3A_71, %dma_wait3A_72] : memref<10000x128xf32, #tpu.memory_space<hbm>> -> memref<10000x128xf32, #tpu.memory_space<hbm>>
      tpu.wait_indirect_dma semaphore(%arg32 : memref<!tpu.dma_semaphore, #tpu.memory_space<semaphore_mem>>) src(%dma_wait3A_73 : memref<10000x128xf32, #tpu.memory_space<hbm>>) dst(%dma_wait3A_70 : memref<32x128xf32, #tpu.memory_space<vmem>>)
      "tpu.region"() ({
        %run_scoped3A = tpu.sem_alloc : memref<!tpu.dma_semaphore, #tpu.memory_space<semaphore_mem>>
        %dma_start3A_74 = arith.constant 0 : i32
        %dma_start3A_75 = arith.constant 0 : i32
        %dma_start3A_76 = tpu.memref_slice %arg25[%dma_start3A_74, %dma_start3A_75] : memref<64x128xf32, #tpu.memory_space<vmem>> -> memref<32x128xf32, #tpu.memory_space<vmem>>
        %dma_start3A_77 = arith.constant 0 : i32
        %dma_start3A_78 = arith.constant 0 : i32
        %dma_start3A_79 = tpu.memref_slice %arg31[%dma_start3A_77, %dma_start3A_78] : memref<10000x128xf32, #tpu.memory_space<vmem_shared>> -> memref<10000x128xf32, #tpu.memory_space<vmem_shared>>
        tpu.enqueue_indirect_dma source(%dma_start3A_76 : memref<32x128xf32, #tpu.memory_space<vmem>>) target(%dma_start3A_79 : memref<10000x128xf32, #tpu.memory_space<vmem_shared>>) offsets(%arg24 : memref<32xi32, #tpu.memory_space<vmem>>) semaphore(%run_scoped3A : memref<!tpu.dma_semaphore, #tpu.memory_space<semaphore_mem>>) {add = true}
        %dma_wait3A_80 = arith.constant 0 : i32
        %dma_wait3A_81 = arith.constant 0 : i32
        %dma_wait3A_82 = tpu.memref_slice %arg25[%dma_wait3A_80, %dma_wait3A_81] : memref<64x128xf32, #tpu.memory_space<vmem>> -> memref<32x128xf32, #tpu.memory_space<vmem>>
        %dma_wait3A_83 = arith.constant 0 : i32
        %dma_wait3A_84 = arith.constant 0 : i32
        %dma_wait3A_85 = tpu.memref_slice %arg31[%dma_wait3A_83, %dma_wait3A_84] : memref<10000x128xf32, #tpu.memory_space<vmem_shared>> -> memref<10000x128xf32, #tpu.memory_space<vmem_shared>>
        tpu.wait_indirect_dma semaphore(%run_scoped3A : memref<!tpu.dma_semaphore, #tpu.memory_space<semaphore_mem>>) src(%dma_wait3A_82 : memref<32x128xf32, #tpu.memory_space<vmem>>) dst(%dma_wait3A_85 : memref<10000x128xf32, #tpu.memory_space<vmem_shared>>)
        tpu.yield
      }) : () -> ()
    } else {
    }
    %eq3A_29 = arith.constant 1 : i32
    %eq3A_30 = arith.cmpi eq, %arg0, %eq3A_29 : i32
    %convert_element_type3A_31 = arith.extui %eq3A_30 : i1 to i32
    %cond3A_32 = arith.constant 0 : i32
    %cond3A_33 = arith.cmpi ne, %convert_element_type3A_31, %cond3A_32 : i32
    scf.if %cond3A_33 {
      %scan3A = arith.constant 0 : i32
      %scan3A_45 = arith.constant 52 : i32
      %scan3A_46 = arith.addi %scan3A, %scan3A_45 : i32
      %scan3A_47 = arith.constant 1 : i32
      scf.for %scan3A_74 = %scan3A to %scan3A_46 step %scan3A_47  : i32 {
        %mul3A_75 = arith.constant 6 : i32
        %mul3A_76 = arith.muli %scan3A_74, %mul3A_75 : i32
        %add3A_77 = arith.constant 0 : i32
        %add3A_78 = arith.addi %add3A_77, %mul3A_76 : i32
        %add3A_79 = arith.constant 0 : i32
        %add3A_80 = arith.addi %add3A_78, %add3A_79 : i32
        %gt3A = arith.constant 0 : i32
        %gt3A_81 = arith.cmpi sgt, %add3A_78, %gt3A : i32
        %convert_element_type3A_82 = arith.extui %gt3A_81 : i1 to i32
        %cond3A_83 = arith.constant 0 : i32
        %cond3A_84 = arith.cmpi ne, %convert_element_type3A_82, %cond3A_83 : i32
        scf.if %cond3A_84 {
          %dma_wait3A_292 = arith.constant 0 : i32
          %dma_wait3A_293 = arith.constant 0 : i32
          %dma_wait3A_294 = tpu.memref_slice %arg31[%dma_wait3A_292, %dma_wait3A_293] : memref<10000x128xf32, #tpu.memory_space<vmem_shared>> -> memref<10000x128xf32, #tpu.memory_space<vmem_shared>>
          tpu.wait_indirect_dma semaphore(%arg41 : memref<!tpu.dma_semaphore, #tpu.memory_space<semaphore_mem>>) src(%arg28 : memref<64x128xf32, #tpu.memory_space<vmem>>) dst(%dma_wait3A_294 : memref<10000x128xf32, #tpu.memory_space<vmem_shared>>)
        } else {
        }
        %add3A_85 = arith.constant 3 : i32
        %add3A_86 = arith.addi %add3A_80, %add3A_85 : i32
        %mul3A_87 = arith.constant 64 : i32
        %mul3A_88 = arith.muli %add3A_86, %mul3A_87 : i32
        %add3A_89 = arith.addi %mul3A_8, %mul3A_88 : i32
        %dma_wait3A_90 = tpu.memref_slice %arg6[%add3A_89] : memref<320000xi32, #tpu.memory_space<hbm>> -> memref<64xi32, #tpu.memory_space<hbm>>
        %dma_wait3A_91 = tpu.memref_slice %arg6[%add3A_89] : memref<320000xi32, #tpu.memory_space<hbm>> -> memref<64xi32, #tpu.memory_space<hbm>>
        tpu.wait_dma2 semaphore(%arg47 : memref<!tpu.dma_semaphore, #tpu.memory_space<semaphore_mem>>) src(%dma_wait3A_91 : memref<64xi32, #tpu.memory_space<hbm>>) dst(%arg14 : memref<64xi32, #tpu.memory_space<vmem>>)
        %dma_start3A_92 = arith.constant 0 : i32
        %dma_start3A_93 = arith.constant 0 : i32
        %dma_start3A_94 = tpu.memref_slice %arg3[%dma_start3A_92, %dma_start3A_93] : memref<10000x128xf32, #tpu.memory_space<hbm>> -> memref<10000x128xf32, #tpu.memory_space<hbm>>
        tpu.enqueue_indirect_dma source(%dma_start3A_94 : memref<10000x128xf32, #tpu.memory_space<hbm>>) target(%arg28 : memref<64x128xf32, #tpu.memory_space<vmem>>) offsets(%arg14 : memref<64xi32, #tpu.memory_space<vmem>>) semaphore(%arg35 : memref<!tpu.dma_semaphore, #tpu.memory_space<semaphore_mem>>)
        %dma_wait3A_95 = arith.constant 0 : i32
        %dma_wait3A_96 = arith.constant 0 : i32
        %dma_wait3A_97 = tpu.memref_slice %arg3[%dma_wait3A_95, %dma_wait3A_96] : memref<10000x128xf32, #tpu.memory_space<hbm>> -> memref<10000x128xf32, #tpu.memory_space<hbm>>
        tpu.wait_indirect_dma semaphore(%arg32 : memref<!tpu.dma_semaphore, #tpu.memory_space<semaphore_mem>>) src(%dma_wait3A_97 : memref<10000x128xf32, #tpu.memory_space<hbm>>) dst(%arg25 : memref<64x128xf32, #tpu.memory_space<vmem>>)
        %mul3A_98 = arith.constant 64 : i32
        %mul3A_99 = arith.muli %add3A_80, %mul3A_98 : i32
        %add3A_100 = arith.addi %mul3A_8, %mul3A_99 : i32
        %dma_wait3A_101 = tpu.memref_slice %arg7[%add3A_100] : memref<320000xi32, #tpu.memory_space<hbm>> -> memref<64xi32, #tpu.memory_space<hbm>>
        %dma_wait3A_102 = tpu.memref_slice %arg7[%add3A_100] : memref<320000xi32, #tpu.memory_space<hbm>> -> memref<64xi32, #tpu.memory_space<hbm>>
        tpu.wait_dma2 semaphore(%arg50 : memref<!tpu.dma_semaphore, #tpu.memory_space<semaphore_mem>>) src(%dma_wait3A_102 : memref<64xi32, #tpu.memory_space<hbm>>) dst(%arg17 : memref<64xi32, #tpu.memory_space<vmem>>)
        %dma_start3A_103 = arith.constant 0 : i32
        %dma_start3A_104 = arith.constant 0 : i32
        %dma_start3A_105 = tpu.memref_slice %arg31[%dma_start3A_103, %dma_start3A_104] : memref<10000x128xf32, #tpu.memory_space<vmem_shared>> -> memref<10000x128xf32, #tpu.memory_space<vmem_shared>>
        tpu.enqueue_indirect_dma source(%arg25 : memref<64x128xf32, #tpu.memory_space<vmem>>) target(%dma_start3A_105 : memref<10000x128xf32, #tpu.memory_space<vmem_shared>>) offsets(%arg17 : memref<64xi32, #tpu.memory_space<vmem>>) semaphore(%arg38 : memref<!tpu.dma_semaphore, #tpu.memory_space<semaphore_mem>>) {add = true}
        %add3A_106 = arith.constant 5 : i32
        %add3A_107 = arith.addi %add3A_80, %add3A_106 : i32
        %mul3A_108 = arith.constant 64 : i32
        %mul3A_109 = arith.muli %add3A_107, %mul3A_108 : i32
        %add3A_110 = arith.addi %mul3A_8, %mul3A_109 : i32
        %dma_start3A_111 = tpu.memref_slice %arg6[%add3A_110] : memref<320000xi32, #tpu.memory_space<hbm>> -> memref<64xi32, #tpu.memory_space<hbm>>
        %dma_start3A_112 = tpu.memref_slice %arg6[%add3A_110] : memref<320000xi32, #tpu.memory_space<hbm>> -> memref<64xi32, #tpu.memory_space<hbm>>
        tpu.enqueue_dma source(%dma_start3A_112 : memref<64xi32, #tpu.memory_space<hbm>>) target(%arg16 : memref<64xi32, #tpu.memory_space<vmem>>) target_semaphore(%arg49 : memref<!tpu.dma_semaphore, #tpu.memory_space<semaphore_mem>>)
        %add3A_113 = arith.constant 3 : i32
        %add3A_114 = arith.addi %add3A_80, %add3A_113 : i32
        %mul3A_115 = arith.constant 64 : i32
        %mul3A_116 = arith.muli %add3A_114, %mul3A_115 : i32
        %add3A_117 = arith.addi %mul3A_8, %mul3A_116 : i32
        %dma_start3A_118 = tpu.memref_slice %arg7[%add3A_117] : memref<320000xi32, #tpu.memory_space<hbm>> -> memref<64xi32, #tpu.memory_space<hbm>>
        %dma_start3A_119 = tpu.memref_slice %arg7[%add3A_117] : memref<320000xi32, #tpu.memory_space<hbm>> -> memref<64xi32, #tpu.memory_space<hbm>>
        tpu.enqueue_dma source(%dma_start3A_119 : memref<64xi32, #tpu.memory_space<hbm>>) target(%arg20 : memref<64xi32, #tpu.memory_space<vmem>>) target_semaphore(%arg53 : memref<!tpu.dma_semaphore, #tpu.memory_space<semaphore_mem>>)
        %add3A_120 = arith.constant 1 : i32
        %add3A_121 = arith.addi %add3A_78, %add3A_120 : i32
        %gt3A_122 = arith.constant 0 : i32
        %gt3A_123 = arith.cmpi sgt, %add3A_78, %gt3A_122 : i32
        %convert_element_type3A_124 = arith.extui %gt3A_123 : i1 to i32
        %cond3A_125 = arith.constant 0 : i32
        %cond3A_126 = arith.cmpi ne, %convert_element_type3A_124, %cond3A_125 : i32
        scf.if %cond3A_126 {
          %dma_wait3A_292 = arith.constant 0 : i32
          %dma_wait3A_293 = arith.constant 0 : i32
          %dma_wait3A_294 = tpu.memref_slice %arg31[%dma_wait3A_292, %dma_wait3A_293] : memref<10000x128xf32, #tpu.memory_space<vmem_shared>> -> memref<10000x128xf32, #tpu.memory_space<vmem_shared>>
          tpu.wait_indirect_dma semaphore(%arg42 : memref<!tpu.dma_semaphore, #tpu.memory_space<semaphore_mem>>) src(%arg29 : memref<64x128xf32, #tpu.memory_space<vmem>>) dst(%dma_wait3A_294 : memref<10000x128xf32, #tpu.memory_space<vmem_shared>>)
        } else {
        }
        %add3A_127 = arith.constant 3 : i32
        %add3A_128 = arith.addi %add3A_121, %add3A_127 : i32
        %mul3A_129 = arith.constant 64 : i32
        %mul3A_130 = arith.muli %add3A_128, %mul3A_129 : i32
        %add3A_131 = arith.addi %mul3A_8, %mul3A_130 : i32
        %dma_wait3A_132 = tpu.memref_slice %arg6[%add3A_131] : memref<320000xi32, #tpu.memory_space<hbm>> -> memref<64xi32, #tpu.memory_space<hbm>>
        %dma_wait3A_133 = tpu.memref_slice %arg6[%add3A_131] : memref<320000xi32, #tpu.memory_space<hbm>> -> memref<64xi32, #tpu.memory_space<hbm>>
        tpu.wait_dma2 semaphore(%arg48 : memref<!tpu.dma_semaphore, #tpu.memory_space<semaphore_mem>>) src(%dma_wait3A_133 : memref<64xi32, #tpu.memory_space<hbm>>) dst(%arg15 : memref<64xi32, #tpu.memory_space<vmem>>)
        %dma_start3A_134 = arith.constant 0 : i32
        %dma_start3A_135 = arith.constant 0 : i32
        %dma_start3A_136 = tpu.memref_slice %arg3[%dma_start3A_134, %dma_start3A_135] : memref<10000x128xf32, #tpu.memory_space<hbm>> -> memref<10000x128xf32, #tpu.memory_space<hbm>>
        tpu.enqueue_indirect_dma source(%dma_start3A_136 : memref<10000x128xf32, #tpu.memory_space<hbm>>) target(%arg29 : memref<64x128xf32, #tpu.memory_space<vmem>>) offsets(%arg15 : memref<64xi32, #tpu.memory_space<vmem>>) semaphore(%arg36 : memref<!tpu.dma_semaphore, #tpu.memory_space<semaphore_mem>>)
        %dma_wait3A_137 = arith.constant 0 : i32
        %dma_wait3A_138 = arith.constant 0 : i32
        %dma_wait3A_139 = tpu.memref_slice %arg3[%dma_wait3A_137, %dma_wait3A_138] : memref<10000x128xf32, #tpu.memory_space<hbm>> -> memref<10000x128xf32, #tpu.memory_space<hbm>>
        tpu.wait_indirect_dma semaphore(%arg33 : memref<!tpu.dma_semaphore, #tpu.memory_space<semaphore_mem>>) src(%dma_wait3A_139 : memref<10000x128xf32, #tpu.memory_space<hbm>>) dst(%arg26 : memref<64x128xf32, #tpu.memory_space<vmem>>)
        %mul3A_140 = arith.constant 64 : i32
        %mul3A_141 = arith.muli %add3A_121, %mul3A_140 : i32
        %add3A_142 = arith.addi %mul3A_8, %mul3A_141 : i32
        %dma_wait3A_143 = tpu.memref_slice %arg7[%add3A_142] : memref<320000xi32, #tpu.memory_space<hbm>> -> memref<64xi32, #tpu.memory_space<hbm>>
        %dma_wait3A_144 = tpu.memref_slice %arg7[%add3A_142] : memref<320000xi32, #tpu.memory_space<hbm>> -> memref<64xi32, #tpu.memory_space<hbm>>
        tpu.wait_dma2 semaphore(%arg51 : memref<!tpu.dma_semaphore, #tpu.memory_space<semaphore_mem>>) src(%dma_wait3A_144 : memref<64xi32, #tpu.memory_space<hbm>>) dst(%arg18 : memref<64xi32, #tpu.memory_space<vmem>>)
        %dma_start3A_145 = arith.constant 0 : i32
        %dma_start3A_146 = arith.constant 0 : i32
        %dma_start3A_147 = tpu.memref_slice %arg31[%dma_start3A_145, %dma_start3A_146] : memref<10000x128xf32, #tpu.memory_space<vmem_shared>> -> memref<10000x128xf32, #tpu.memory_space<vmem_shared>>
        tpu.enqueue_indirect_dma source(%arg26 : memref<64x128xf32, #tpu.memory_space<vmem>>) target(%dma_start3A_147 : memref<10000x128xf32, #tpu.memory_space<vmem_shared>>) offsets(%arg18 : memref<64xi32, #tpu.memory_space<vmem>>) semaphore(%arg39 : memref<!tpu.dma_semaphore, #tpu.memory_space<semaphore_mem>>) {add = true}
        %lt3A = arith.constant 306 : i32
        %lt3A_148 = arith.cmpi slt, %add3A_78, %lt3A : i32
        %convert_element_type3A_149 = arith.extui %lt3A_148 : i1 to i32
        %cond3A_150 = arith.constant 0 : i32
        %cond3A_151 = arith.cmpi ne, %convert_element_type3A_149, %cond3A_150 : i32
        scf.if %cond3A_151 {
          %add3A_292 = arith.constant 5 : i32
          %add3A_293 = arith.addi %add3A_121, %add3A_292 : i32
          %mul3A_294 = arith.constant 64 : i32
          %mul3A_295 = arith.muli %add3A_293, %mul3A_294 : i32
          %add3A_296 = arith.addi %mul3A_8, %mul3A_295 : i32
          %dma_start3A_297 = tpu.memref_slice %arg6[%add3A_296] : memref<320000xi32, #tpu.memory_space<hbm>> -> memref<64xi32, #tpu.memory_space<hbm>>
          %dma_start3A_298 = tpu.memref_slice %arg6[%add3A_296] : memref<320000xi32, #tpu.memory_space<hbm>> -> memref<64xi32, #tpu.memory_space<hbm>>
          tpu.enqueue_dma source(%dma_start3A_298 : memref<64xi32, #tpu.memory_space<hbm>>) target(%arg11 : memref<64xi32, #tpu.memory_space<vmem>>) target_semaphore(%arg44 : memref<!tpu.dma_semaphore, #tpu.memory_space<semaphore_mem>>)
        } else {
        }
        %add3A_152 = arith.constant 3 : i32
        %add3A_153 = arith.addi %add3A_121, %add3A_152 : i32
        %mul3A_154 = arith.constant 64 : i32
        %mul3A_155 = arith.muli %add3A_153, %mul3A_154 : i32
        %add3A_156 = arith.addi %mul3A_8, %mul3A_155 : i32
        %dma_start3A_157 = tpu.memref_slice %arg7[%add3A_156] : memref<320000xi32, #tpu.memory_space<hbm>> -> memref<64xi32, #tpu.memory_space<hbm>>
        %dma_start3A_158 = tpu.memref_slice %arg7[%add3A_156] : memref<320000xi32, #tpu.memory_space<hbm>> -> memref<64xi32, #tpu.memory_space<hbm>>
        tpu.enqueue_dma source(%dma_start3A_158 : memref<64xi32, #tpu.memory_space<hbm>>) target(%arg21 : memref<64xi32, #tpu.memory_space<vmem>>) target_semaphore(%arg54 : memref<!tpu.dma_semaphore, #tpu.memory_space<semaphore_mem>>)
        %add3A_159 = arith.constant 2 : i32
        %add3A_160 = arith.addi %add3A_78, %add3A_159 : i32
        %gt3A_161 = arith.constant 0 : i32
        %gt3A_162 = arith.cmpi sgt, %add3A_78, %gt3A_161 : i32
        %convert_element_type3A_163 = arith.extui %gt3A_162 : i1 to i32
        %cond3A_164 = arith.constant 0 : i32
        %cond3A_165 = arith.cmpi ne, %convert_element_type3A_163, %cond3A_164 : i32
        scf.if %cond3A_165 {
          %dma_wait3A_292 = arith.constant 0 : i32
          %dma_wait3A_293 = arith.constant 0 : i32
          %dma_wait3A_294 = tpu.memref_slice %arg31[%dma_wait3A_292, %dma_wait3A_293] : memref<10000x128xf32, #tpu.memory_space<vmem_shared>> -> memref<10000x128xf32, #tpu.memory_space<vmem_shared>>
          tpu.wait_indirect_dma semaphore(%arg43 : memref<!tpu.dma_semaphore, #tpu.memory_space<semaphore_mem>>) src(%arg30 : memref<64x128xf32, #tpu.memory_space<vmem>>) dst(%dma_wait3A_294 : memref<10000x128xf32, #tpu.memory_space<vmem_shared>>)
        } else {
        }
        %add3A_166 = arith.constant 3 : i32
        %add3A_167 = arith.addi %add3A_160, %add3A_166 : i32
        %mul3A_168 = arith.constant 64 : i32
        %mul3A_169 = arith.muli %add3A_167, %mul3A_168 : i32
        %add3A_170 = arith.addi %mul3A_8, %mul3A_169 : i32
        %dma_wait3A_171 = tpu.memref_slice %arg6[%add3A_170] : memref<320000xi32, #tpu.memory_space<hbm>> -> memref<64xi32, #tpu.memory_space<hbm>>
        %dma_wait3A_172 = tpu.memref_slice %arg6[%add3A_170] : memref<320000xi32, #tpu.memory_space<hbm>> -> memref<64xi32, #tpu.memory_space<hbm>>
        tpu.wait_dma2 semaphore(%arg49 : memref<!tpu.dma_semaphore, #tpu.memory_space<semaphore_mem>>) src(%dma_wait3A_172 : memref<64xi32, #tpu.memory_space<hbm>>) dst(%arg16 : memref<64xi32, #tpu.memory_space<vmem>>)
        %dma_start3A_173 = arith.constant 0 : i32
        %dma_start3A_174 = arith.constant 0 : i32
        %dma_start3A_175 = tpu.memref_slice %arg3[%dma_start3A_173, %dma_start3A_174] : memref<10000x128xf32, #tpu.memory_space<hbm>> -> memref<10000x128xf32, #tpu.memory_space<hbm>>
        tpu.enqueue_indirect_dma source(%dma_start3A_175 : memref<10000x128xf32, #tpu.memory_space<hbm>>) target(%arg30 : memref<64x128xf32, #tpu.memory_space<vmem>>) offsets(%arg16 : memref<64xi32, #tpu.memory_space<vmem>>) semaphore(%arg37 : memref<!tpu.dma_semaphore, #tpu.memory_space<semaphore_mem>>)
        %dma_wait3A_176 = arith.constant 0 : i32
        %dma_wait3A_177 = arith.constant 0 : i32
        %dma_wait3A_178 = tpu.memref_slice %arg3[%dma_wait3A_176, %dma_wait3A_177] : memref<10000x128xf32, #tpu.memory_space<hbm>> -> memref<10000x128xf32, #tpu.memory_space<hbm>>
        tpu.wait_indirect_dma semaphore(%arg34 : memref<!tpu.dma_semaphore, #tpu.memory_space<semaphore_mem>>) src(%dma_wait3A_178 : memref<10000x128xf32, #tpu.memory_space<hbm>>) dst(%arg27 : memref<64x128xf32, #tpu.memory_space<vmem>>)
        %mul3A_179 = arith.constant 64 : i32
        %mul3A_180 = arith.muli %add3A_160, %mul3A_179 : i32
        %add3A_181 = arith.addi %mul3A_8, %mul3A_180 : i32
        %dma_wait3A_182 = tpu.memref_slice %arg7[%add3A_181] : memref<320000xi32, #tpu.memory_space<hbm>> -> memref<64xi32, #tpu.memory_space<hbm>>
        %dma_wait3A_183 = tpu.memref_slice %arg7[%add3A_181] : memref<320000xi32, #tpu.memory_space<hbm>> -> memref<64xi32, #tpu.memory_space<hbm>>
        tpu.wait_dma2 semaphore(%arg52 : memref<!tpu.dma_semaphore, #tpu.memory_space<semaphore_mem>>) src(%dma_wait3A_183 : memref<64xi32, #tpu.memory_space<hbm>>) dst(%arg19 : memref<64xi32, #tpu.memory_space<vmem>>)
        %dma_start3A_184 = arith.constant 0 : i32
        %dma_start3A_185 = arith.constant 0 : i32
        %dma_start3A_186 = tpu.memref_slice %arg31[%dma_start3A_184, %dma_start3A_185] : memref<10000x128xf32, #tpu.memory_space<vmem_shared>> -> memref<10000x128xf32, #tpu.memory_space<vmem_shared>>
        tpu.enqueue_indirect_dma source(%arg27 : memref<64x128xf32, #tpu.memory_space<vmem>>) target(%dma_start3A_186 : memref<10000x128xf32, #tpu.memory_space<vmem_shared>>) offsets(%arg19 : memref<64xi32, #tpu.memory_space<vmem>>) semaphore(%arg40 : memref<!tpu.dma_semaphore, #tpu.memory_space<semaphore_mem>>) {add = true}
        %lt3A_187 = arith.constant 306 : i32
        %lt3A_188 = arith.cmpi slt, %add3A_78, %lt3A_187 : i32
        %convert_element_type3A_189 = arith.extui %lt3A_188 : i1 to i32
        %cond3A_190 = arith.constant 0 : i32
        %cond3A_191 = arith.cmpi ne, %convert_element_type3A_189, %cond3A_190 : i32
        scf.if %cond3A_191 {
          %add3A_292 = arith.constant 5 : i32
          %add3A_293 = arith.addi %add3A_160, %add3A_292 : i32
          %mul3A_294 = arith.constant 64 : i32
          %mul3A_295 = arith.muli %add3A_293, %mul3A_294 : i32
          %add3A_296 = arith.addi %mul3A_8, %mul3A_295 : i32
          %dma_start3A_297 = tpu.memref_slice %arg6[%add3A_296] : memref<320000xi32, #tpu.memory_space<hbm>> -> memref<64xi32, #tpu.memory_space<hbm>>
          %dma_start3A_298 = tpu.memref_slice %arg6[%add3A_296] : memref<320000xi32, #tpu.memory_space<hbm>> -> memref<64xi32, #tpu.memory_space<hbm>>
          tpu.enqueue_dma source(%dma_start3A_298 : memref<64xi32, #tpu.memory_space<hbm>>) target(%arg12 : memref<64xi32, #tpu.memory_space<vmem>>) target_semaphore(%arg45 : memref<!tpu.dma_semaphore, #tpu.memory_space<semaphore_mem>>)
        } else {
        }
        %add3A_192 = arith.constant 3 : i32
        %add3A_193 = arith.addi %add3A_160, %add3A_192 : i32
        %mul3A_194 = arith.constant 64 : i32
        %mul3A_195 = arith.muli %add3A_193, %mul3A_194 : i32
        %add3A_196 = arith.addi %mul3A_8, %mul3A_195 : i32
        %dma_start3A_197 = tpu.memref_slice %arg7[%add3A_196] : memref<320000xi32, #tpu.memory_space<hbm>> -> memref<64xi32, #tpu.memory_space<hbm>>
        %dma_start3A_198 = tpu.memref_slice %arg7[%add3A_196] : memref<320000xi32, #tpu.memory_space<hbm>> -> memref<64xi32, #tpu.memory_space<hbm>>
        tpu.enqueue_dma source(%dma_start3A_198 : memref<64xi32, #tpu.memory_space<hbm>>) target(%arg22 : memref<64xi32, #tpu.memory_space<vmem>>) target_semaphore(%arg55 : memref<!tpu.dma_semaphore, #tpu.memory_space<semaphore_mem>>)
        %add3A_199 = arith.constant 3 : i32
        %add3A_200 = arith.addi %add3A_78, %add3A_199 : i32
        %dma_wait3A_201 = arith.constant 0 : i32
        %dma_wait3A_202 = arith.constant 0 : i32
        %dma_wait3A_203 = tpu.memref_slice %arg31[%dma_wait3A_201, %dma_wait3A_202] : memref<10000x128xf32, #tpu.memory_space<vmem_shared>> -> memref<10000x128xf32, #tpu.memory_space<vmem_shared>>
        tpu.wait_indirect_dma semaphore(%arg38 : memref<!tpu.dma_semaphore, #tpu.memory_space<semaphore_mem>>) src(%arg25 : memref<64x128xf32, #tpu.memory_space<vmem>>) dst(%dma_wait3A_203 : memref<10000x128xf32, #tpu.memory_space<vmem_shared>>)
        %lt3A_204 = arith.constant 306 : i32
        %lt3A_205 = arith.cmpi slt, %add3A_78, %lt3A_204 : i32
        %convert_element_type3A_206 = arith.extui %lt3A_205 : i1 to i32
        %cond3A_207 = arith.constant 0 : i32
        %cond3A_208 = arith.cmpi ne, %convert_element_type3A_206, %cond3A_207 : i32
        scf.if %cond3A_208 {
          %add3A_292 = arith.constant 3 : i32
          %add3A_293 = arith.addi %add3A_200, %add3A_292 : i32
          %mul3A_294 = arith.constant 64 : i32
          %mul3A_295 = arith.muli %add3A_293, %mul3A_294 : i32
          %add3A_296 = arith.addi %mul3A_8, %mul3A_295 : i32
          %dma_wait3A_297 = tpu.memref_slice %arg6[%add3A_296] : memref<320000xi32, #tpu.memory_space<hbm>> -> memref<64xi32, #tpu.memory_space<hbm>>
          %dma_wait3A_298 = tpu.memref_slice %arg6[%add3A_296] : memref<320000xi32, #tpu.memory_space<hbm>> -> memref<64xi32, #tpu.memory_space<hbm>>
          tpu.wait_dma2 semaphore(%arg44 : memref<!tpu.dma_semaphore, #tpu.memory_space<semaphore_mem>>) src(%dma_wait3A_298 : memref<64xi32, #tpu.memory_space<hbm>>) dst(%arg11 : memref<64xi32, #tpu.memory_space<vmem>>)
          %dma_start3A_299 = arith.constant 0 : i32
          %dma_start3A_300 = arith.constant 0 : i32
          %dma_start3A_301 = tpu.memref_slice %arg3[%dma_start3A_299, %dma_start3A_300] : memref<10000x128xf32, #tpu.memory_space<hbm>> -> memref<10000x128xf32, #tpu.memory_space<hbm>>
          tpu.enqueue_indirect_dma source(%dma_start3A_301 : memref<10000x128xf32, #tpu.memory_space<hbm>>) target(%arg25 : memref<64x128xf32, #tpu.memory_space<vmem>>) offsets(%arg11 : memref<64xi32, #tpu.memory_space<vmem>>) semaphore(%arg32 : memref<!tpu.dma_semaphore, #tpu.memory_space<semaphore_mem>>)
        } else {
        }
        %dma_wait3A_209 = arith.constant 0 : i32
        %dma_wait3A_210 = arith.constant 0 : i32
        %dma_wait3A_211 = tpu.memref_slice %arg3[%dma_wait3A_209, %dma_wait3A_210] : memref<10000x128xf32, #tpu.memory_space<hbm>> -> memref<10000x128xf32, #tpu.memory_space<hbm>>
        tpu.wait_indirect_dma semaphore(%arg35 : memref<!tpu.dma_semaphore, #tpu.memory_space<semaphore_mem>>) src(%dma_wait3A_211 : memref<10000x128xf32, #tpu.memory_space<hbm>>) dst(%arg28 : memref<64x128xf32, #tpu.memory_space<vmem>>)
        %mul3A_212 = arith.constant 64 : i32
        %mul3A_213 = arith.muli %add3A_200, %mul3A_212 : i32
        %add3A_214 = arith.addi %mul3A_8, %mul3A_213 : i32
        %dma_wait3A_215 = tpu.memref_slice %arg7[%add3A_214] : memref<320000xi32, #tpu.memory_space<hbm>> -> memref<64xi32, #tpu.memory_space<hbm>>
        %dma_wait3A_216 = tpu.memref_slice %arg7[%add3A_214] : memref<320000xi32, #tpu.memory_space<hbm>> -> memref<64xi32, #tpu.memory_space<hbm>>
        tpu.wait_dma2 semaphore(%arg53 : memref<!tpu.dma_semaphore, #tpu.memory_space<semaphore_mem>>) src(%dma_wait3A_216 : memref<64xi32, #tpu.memory_space<hbm>>) dst(%arg20 : memref<64xi32, #tpu.memory_space<vmem>>)
        %dma_start3A_217 = arith.constant 0 : i32
        %dma_start3A_218 = arith.constant 0 : i32
        %dma_start3A_219 = tpu.memref_slice %arg31[%dma_start3A_217, %dma_start3A_218] : memref<10000x128xf32, #tpu.memory_space<vmem_shared>> -> memref<10000x128xf32, #tpu.memory_space<vmem_shared>>
        tpu.enqueue_indirect_dma source(%arg28 : memref<64x128xf32, #tpu.memory_space<vmem>>) target(%dma_start3A_219 : memref<10000x128xf32, #tpu.memory_space<vmem_shared>>) offsets(%arg20 : memref<64xi32, #tpu.memory_space<vmem>>) semaphore(%arg41 : memref<!tpu.dma_semaphore, #tpu.memory_space<semaphore_mem>>) {add = true}
        %lt3A_220 = arith.constant 306 : i32
        %lt3A_221 = arith.cmpi slt, %add3A_78, %lt3A_220 : i32
        %convert_element_type3A_222 = arith.extui %lt3A_221 : i1 to i32
        %cond3A_223 = arith.constant 0 : i32
        %cond3A_224 = arith.cmpi ne, %convert_element_type3A_222, %cond3A_223 : i32
        scf.if %cond3A_224 {
          %add3A_292 = arith.constant 5 : i32
          %add3A_293 = arith.addi %add3A_200, %add3A_292 : i32
          %mul3A_294 = arith.constant 64 : i32
          %mul3A_295 = arith.muli %add3A_293, %mul3A_294 : i32
          %add3A_296 = arith.addi %mul3A_8, %mul3A_295 : i32
          %dma_start3A_297 = tpu.memref_slice %arg6[%add3A_296] : memref<320000xi32, #tpu.memory_space<hbm>> -> memref<64xi32, #tpu.memory_space<hbm>>
          %dma_start3A_298 = tpu.memref_slice %arg6[%add3A_296] : memref<320000xi32, #tpu.memory_space<hbm>> -> memref<64xi32, #tpu.memory_space<hbm>>
          tpu.enqueue_dma source(%dma_start3A_298 : memref<64xi32, #tpu.memory_space<hbm>>) target(%arg13 : memref<64xi32, #tpu.memory_space<vmem>>) target_semaphore(%arg46 : memref<!tpu.dma_semaphore, #tpu.memory_space<semaphore_mem>>)
        } else {
        }
        %lt3A_225 = arith.constant 306 : i32
        %lt3A_226 = arith.cmpi slt, %add3A_78, %lt3A_225 : i32
        %convert_element_type3A_227 = arith.extui %lt3A_226 : i1 to i32
        %cond3A_228 = arith.constant 0 : i32
        %cond3A_229 = arith.cmpi ne, %convert_element_type3A_227, %cond3A_228 : i32
        scf.if %cond3A_229 {
          %add3A_292 = arith.constant 3 : i32
          %add3A_293 = arith.addi %add3A_200, %add3A_292 : i32
          %mul3A_294 = arith.constant 64 : i32
          %mul3A_295 = arith.muli %add3A_293, %mul3A_294 : i32
          %add3A_296 = arith.addi %mul3A_8, %mul3A_295 : i32
          %dma_start3A_297 = tpu.memref_slice %arg7[%add3A_296] : memref<320000xi32, #tpu.memory_space<hbm>> -> memref<64xi32, #tpu.memory_space<hbm>>
          %dma_start3A_298 = tpu.memref_slice %arg7[%add3A_296] : memref<320000xi32, #tpu.memory_space<hbm>> -> memref<64xi32, #tpu.memory_space<hbm>>
          tpu.enqueue_dma source(%dma_start3A_298 : memref<64xi32, #tpu.memory_space<hbm>>) target(%arg17 : memref<64xi32, #tpu.memory_space<vmem>>) target_semaphore(%arg50 : memref<!tpu.dma_semaphore, #tpu.memory_space<semaphore_mem>>)
        } else {
        }
        %add3A_230 = arith.constant 4 : i32
        %add3A_231 = arith.addi %add3A_78, %add3A_230 : i32
        %dma_wait3A_232 = arith.constant 0 : i32
        %dma_wait3A_233 = arith.constant 0 : i32
        %dma_wait3A_234 = tpu.memref_slice %arg31[%dma_wait3A_232, %dma_wait3A_233] : memref<10000x128xf32, #tpu.memory_space<vmem_shared>> -> memref<10000x128xf32, #tpu.memory_space<vmem_shared>>
        tpu.wait_indirect_dma semaphore(%arg39 : memref<!tpu.dma_semaphore, #tpu.memory_space<semaphore_mem>>) src(%arg26 : memref<64x128xf32, #tpu.memory_space<vmem>>) dst(%dma_wait3A_234 : memref<10000x128xf32, #tpu.memory_space<vmem_shared>>)
        %lt3A_235 = arith.constant 306 : i32
        %lt3A_236 = arith.cmpi slt, %add3A_78, %lt3A_235 : i32
        %convert_element_type3A_237 = arith.extui %lt3A_236 : i1 to i32
        %cond3A_238 = arith.constant 0 : i32
        %cond3A_239 = arith.cmpi ne, %convert_element_type3A_237, %cond3A_238 : i32
        scf.if %cond3A_239 {
          %add3A_292 = arith.constant 3 : i32
          %add3A_293 = arith.addi %add3A_231, %add3A_292 : i32
          %mul3A_294 = arith.constant 64 : i32
          %mul3A_295 = arith.muli %add3A_293, %mul3A_294 : i32
          %add3A_296 = arith.addi %mul3A_8, %mul3A_295 : i32
          %dma_wait3A_297 = tpu.memref_slice %arg6[%add3A_296] : memref<320000xi32, #tpu.memory_space<hbm>> -> memref<64xi32, #tpu.memory_space<hbm>>
          %dma_wait3A_298 = tpu.memref_slice %arg6[%add3A_296] : memref<320000xi32, #tpu.memory_space<hbm>> -> memref<64xi32, #tpu.memory_space<hbm>>
          tpu.wait_dma2 semaphore(%arg45 : memref<!tpu.dma_semaphore, #tpu.memory_space<semaphore_mem>>) src(%dma_wait3A_298 : memref<64xi32, #tpu.memory_space<hbm>>) dst(%arg12 : memref<64xi32, #tpu.memory_space<vmem>>)
          %dma_start3A_299 = arith.constant 0 : i32
          %dma_start3A_300 = arith.constant 0 : i32
          %dma_start3A_301 = tpu.memref_slice %arg3[%dma_start3A_299, %dma_start3A_300] : memref<10000x128xf32, #tpu.memory_space<hbm>> -> memref<10000x128xf32, #tpu.memory_space<hbm>>
          tpu.enqueue_indirect_dma source(%dma_start3A_301 : memref<10000x128xf32, #tpu.memory_space<hbm>>) target(%arg26 : memref<64x128xf32, #tpu.memory_space<vmem>>) offsets(%arg12 : memref<64xi32, #tpu.memory_space<vmem>>) semaphore(%arg33 : memref<!tpu.dma_semaphore, #tpu.memory_space<semaphore_mem>>)
        } else {
        }
        %dma_wait3A_240 = arith.constant 0 : i32
        %dma_wait3A_241 = arith.constant 0 : i32
        %dma_wait3A_242 = tpu.memref_slice %arg3[%dma_wait3A_240, %dma_wait3A_241] : memref<10000x128xf32, #tpu.memory_space<hbm>> -> memref<10000x128xf32, #tpu.memory_space<hbm>>
        tpu.wait_indirect_dma semaphore(%arg36 : memref<!tpu.dma_semaphore, #tpu.memory_space<semaphore_mem>>) src(%dma_wait3A_242 : memref<10000x128xf32, #tpu.memory_space<hbm>>) dst(%arg29 : memref<64x128xf32, #tpu.memory_space<vmem>>)
        %mul3A_243 = arith.constant 64 : i32
        %mul3A_244 = arith.muli %add3A_231, %mul3A_243 : i32
        %add3A_245 = arith.addi %mul3A_8, %mul3A_244 : i32
        %dma_wait3A_246 = tpu.memref_slice %arg7[%add3A_245] : memref<320000xi32, #tpu.memory_space<hbm>> -> memref<64xi32, #tpu.memory_space<hbm>>
        %dma_wait3A_247 = tpu.memref_slice %arg7[%add3A_245] : memref<320000xi32, #tpu.memory_space<hbm>> -> memref<64xi32, #tpu.memory_space<hbm>>
        tpu.wait_dma2 semaphore(%arg54 : memref<!tpu.dma_semaphore, #tpu.memory_space<semaphore_mem>>) src(%dma_wait3A_247 : memref<64xi32, #tpu.memory_space<hbm>>) dst(%arg21 : memref<64xi32, #tpu.memory_space<vmem>>)
        %dma_start3A_248 = arith.constant 0 : i32
        %dma_start3A_249 = arith.constant 0 : i32
        %dma_start3A_250 = tpu.memref_slice %arg31[%dma_start3A_248, %dma_start3A_249] : memref<10000x128xf32, #tpu.memory_space<vmem_shared>> -> memref<10000x128xf32, #tpu.memory_space<vmem_shared>>
        tpu.enqueue_indirect_dma source(%arg29 : memref<64x128xf32, #tpu.memory_space<vmem>>) target(%dma_start3A_250 : memref<10000x128xf32, #tpu.memory_space<vmem_shared>>) offsets(%arg21 : memref<64xi32, #tpu.memory_space<vmem>>) semaphore(%arg42 : memref<!tpu.dma_semaphore, #tpu.memory_space<semaphore_mem>>) {add = true}
        %lt3A_251 = arith.constant 306 : i32
        %lt3A_252 = arith.cmpi slt, %add3A_78, %lt3A_251 : i32
        %convert_element_type3A_253 = arith.extui %lt3A_252 : i1 to i32
        %cond3A_254 = arith.constant 0 : i32
        %cond3A_255 = arith.cmpi ne, %convert_element_type3A_253, %cond3A_254 : i32
        scf.if %cond3A_255 {
          %add3A_292 = arith.constant 5 : i32
          %add3A_293 = arith.addi %add3A_231, %add3A_292 : i32
          %mul3A_294 = arith.constant 64 : i32
          %mul3A_295 = arith.muli %add3A_293, %mul3A_294 : i32
          %add3A_296 = arith.addi %mul3A_8, %mul3A_295 : i32
          %dma_start3A_297 = tpu.memref_slice %arg6[%add3A_296] : memref<320000xi32, #tpu.memory_space<hbm>> -> memref<64xi32, #tpu.memory_space<hbm>>
          %dma_start3A_298 = tpu.memref_slice %arg6[%add3A_296] : memref<320000xi32, #tpu.memory_space<hbm>> -> memref<64xi32, #tpu.memory_space<hbm>>
          tpu.enqueue_dma source(%dma_start3A_298 : memref<64xi32, #tpu.memory_space<hbm>>) target(%arg14 : memref<64xi32, #tpu.memory_space<vmem>>) target_semaphore(%arg47 : memref<!tpu.dma_semaphore, #tpu.memory_space<semaphore_mem>>)
        } else {
        }
        %lt3A_256 = arith.constant 306 : i32
        %lt3A_257 = arith.cmpi slt, %add3A_78, %lt3A_256 : i32
        %convert_element_type3A_258 = arith.extui %lt3A_257 : i1 to i32
        %cond3A_259 = arith.constant 0 : i32
        %cond3A_260 = arith.cmpi ne, %convert_element_type3A_258, %cond3A_259 : i32
        scf.if %cond3A_260 {
          %add3A_292 = arith.constant 3 : i32
          %add3A_293 = arith.addi %add3A_231, %add3A_292 : i32
          %mul3A_294 = arith.constant 64 : i32
          %mul3A_295 = arith.muli %add3A_293, %mul3A_294 : i32
          %add3A_296 = arith.addi %mul3A_8, %mul3A_295 : i32
          %dma_start3A_297 = tpu.memref_slice %arg7[%add3A_296] : memref<320000xi32, #tpu.memory_space<hbm>> -> memref<64xi32, #tpu.memory_space<hbm>>
          %dma_start3A_298 = tpu.memref_slice %arg7[%add3A_296] : memref<320000xi32, #tpu.memory_space<hbm>> -> memref<64xi32, #tpu.memory_space<hbm>>
          tpu.enqueue_dma source(%dma_start3A_298 : memref<64xi32, #tpu.memory_space<hbm>>) target(%arg18 : memref<64xi32, #tpu.memory_space<vmem>>) target_semaphore(%arg51 : memref<!tpu.dma_semaphore, #tpu.memory_space<semaphore_mem>>)
        } else {
        }
        %add3A_261 = arith.constant 5 : i32
        %add3A_262 = arith.addi %add3A_78, %add3A_261 : i32
        %dma_wait3A_263 = arith.constant 0 : i32
        %dma_wait3A_264 = arith.constant 0 : i32
        %dma_wait3A_265 = tpu.memref_slice %arg31[%dma_wait3A_263, %dma_wait3A_264] : memref<10000x128xf32, #tpu.memory_space<vmem_shared>> -> memref<10000x128xf32, #tpu.memory_space<vmem_shared>>
        tpu.wait_indirect_dma semaphore(%arg40 : memref<!tpu.dma_semaphore, #tpu.memory_space<semaphore_mem>>) src(%arg27 : memref<64x128xf32, #tpu.memory_space<vmem>>) dst(%dma_wait3A_265 : memref<10000x128xf32, #tpu.memory_space<vmem_shared>>)
        %lt3A_266 = arith.constant 306 : i32
        %lt3A_267 = arith.cmpi slt, %add3A_78, %lt3A_266 : i32
        %convert_element_type3A_268 = arith.extui %lt3A_267 : i1 to i32
        %cond3A_269 = arith.constant 0 : i32
        %cond3A_270 = arith.cmpi ne, %convert_element_type3A_268, %cond3A_269 : i32
        scf.if %cond3A_270 {
          %add3A_292 = arith.constant 3 : i32
          %add3A_293 = arith.addi %add3A_262, %add3A_292 : i32
          %mul3A_294 = arith.constant 64 : i32
          %mul3A_295 = arith.muli %add3A_293, %mul3A_294 : i32
          %add3A_296 = arith.addi %mul3A_8, %mul3A_295 : i32
          %dma_wait3A_297 = tpu.memref_slice %arg6[%add3A_296] : memref<320000xi32, #tpu.memory_space<hbm>> -> memref<64xi32, #tpu.memory_space<hbm>>
          %dma_wait3A_298 = tpu.memref_slice %arg6[%add3A_296] : memref<320000xi32, #tpu.memory_space<hbm>> -> memref<64xi32, #tpu.memory_space<hbm>>
          tpu.wait_dma2 semaphore(%arg46 : memref<!tpu.dma_semaphore, #tpu.memory_space<semaphore_mem>>) src(%dma_wait3A_298 : memref<64xi32, #tpu.memory_space<hbm>>) dst(%arg13 : memref<64xi32, #tpu.memory_space<vmem>>)
          %dma_start3A_299 = arith.constant 0 : i32
          %dma_start3A_300 = arith.constant 0 : i32
          %dma_start3A_301 = tpu.memref_slice %arg3[%dma_start3A_299, %dma_start3A_300] : memref<10000x128xf32, #tpu.memory_space<hbm>> -> memref<10000x128xf32, #tpu.memory_space<hbm>>
          tpu.enqueue_indirect_dma source(%dma_start3A_301 : memref<10000x128xf32, #tpu.memory_space<hbm>>) target(%arg27 : memref<64x128xf32, #tpu.memory_space<vmem>>) offsets(%arg13 : memref<64xi32, #tpu.memory_space<vmem>>) semaphore(%arg34 : memref<!tpu.dma_semaphore, #tpu.memory_space<semaphore_mem>>)
        } else {
        }
        %dma_wait3A_271 = arith.constant 0 : i32
        %dma_wait3A_272 = arith.constant 0 : i32
        %dma_wait3A_273 = tpu.memref_slice %arg3[%dma_wait3A_271, %dma_wait3A_272] : memref<10000x128xf32, #tpu.memory_space<hbm>> -> memref<10000x128xf32, #tpu.memory_space<hbm>>
        tpu.wait_indirect_dma semaphore(%arg37 : memref<!tpu.dma_semaphore, #tpu.memory_space<semaphore_mem>>) src(%dma_wait3A_273 : memref<10000x128xf32, #tpu.memory_space<hbm>>) dst(%arg30 : memref<64x128xf32, #tpu.memory_space<vmem>>)
        %mul3A_274 = arith.constant 64 : i32
        %mul3A_275 = arith.muli %add3A_262, %mul3A_274 : i32
        %add3A_276 = arith.addi %mul3A_8, %mul3A_275 : i32
        %dma_wait3A_277 = tpu.memref_slice %arg7[%add3A_276] : memref<320000xi32, #tpu.memory_space<hbm>> -> memref<64xi32, #tpu.memory_space<hbm>>
        %dma_wait3A_278 = tpu.memref_slice %arg7[%add3A_276] : memref<320000xi32, #tpu.memory_space<hbm>> -> memref<64xi32, #tpu.memory_space<hbm>>
        tpu.wait_dma2 semaphore(%arg55 : memref<!tpu.dma_semaphore, #tpu.memory_space<semaphore_mem>>) src(%dma_wait3A_278 : memref<64xi32, #tpu.memory_space<hbm>>) dst(%arg22 : memref<64xi32, #tpu.memory_space<vmem>>)
        %dma_start3A_279 = arith.constant 0 : i32
        %dma_start3A_280 = arith.constant 0 : i32
        %dma_start3A_281 = tpu.memref_slice %arg31[%dma_start3A_279, %dma_start3A_280] : memref<10000x128xf32, #tpu.memory_space<vmem_shared>> -> memref<10000x128xf32, #tpu.memory_space<vmem_shared>>
        tpu.enqueue_indirect_dma source(%arg30 : memref<64x128xf32, #tpu.memory_space<vmem>>) target(%dma_start3A_281 : memref<10000x128xf32, #tpu.memory_space<vmem_shared>>) offsets(%arg22 : memref<64xi32, #tpu.memory_space<vmem>>) semaphore(%arg43 : memref<!tpu.dma_semaphore, #tpu.memory_space<semaphore_mem>>) {add = true}
        %lt3A_282 = arith.constant 306 : i32
        %lt3A_283 = arith.cmpi slt, %add3A_78, %lt3A_282 : i32
        %convert_element_type3A_284 = arith.extui %lt3A_283 : i1 to i32
        %cond3A_285 = arith.constant 0 : i32
        %cond3A_286 = arith.cmpi ne, %convert_element_type3A_284, %cond3A_285 : i32
        scf.if %cond3A_286 {
          %add3A_292 = arith.constant 5 : i32
          %add3A_293 = arith.addi %add3A_262, %add3A_292 : i32
          %mul3A_294 = arith.constant 64 : i32
          %mul3A_295 = arith.muli %add3A_293, %mul3A_294 : i32
          %add3A_296 = arith.addi %mul3A_8, %mul3A_295 : i32
          %dma_start3A_297 = tpu.memref_slice %arg6[%add3A_296] : memref<320000xi32, #tpu.memory_space<hbm>> -> memref<64xi32, #tpu.memory_space<hbm>>
          %dma_start3A_298 = tpu.memref_slice %arg6[%add3A_296] : memref<320000xi32, #tpu.memory_space<hbm>> -> memref<64xi32, #tpu.memory_space<hbm>>
          tpu.enqueue_dma source(%dma_start3A_298 : memref<64xi32, #tpu.memory_space<hbm>>) target(%arg15 : memref<64xi32, #tpu.memory_space<vmem>>) target_semaphore(%arg48 : memref<!tpu.dma_semaphore, #tpu.memory_space<semaphore_mem>>)
        } else {
        }
        %lt3A_287 = arith.constant 306 : i32
        %lt3A_288 = arith.cmpi slt, %add3A_78, %lt3A_287 : i32
        %convert_element_type3A_289 = arith.extui %lt3A_288 : i1 to i32
        %cond3A_290 = arith.constant 0 : i32
        %cond3A_291 = arith.cmpi ne, %convert_element_type3A_289, %cond3A_290 : i32
        scf.if %cond3A_291 {
          %add3A_292 = arith.constant 3 : i32
          %add3A_293 = arith.addi %add3A_262, %add3A_292 : i32
          %mul3A_294 = arith.constant 64 : i32
          %mul3A_295 = arith.muli %add3A_293, %mul3A_294 : i32
          %add3A_296 = arith.addi %mul3A_8, %mul3A_295 : i32
          %dma_start3A_297 = tpu.memref_slice %arg7[%add3A_296] : memref<320000xi32, #tpu.memory_space<hbm>> -> memref<64xi32, #tpu.memory_space<hbm>>
          %dma_start3A_298 = tpu.memref_slice %arg7[%add3A_296] : memref<320000xi32, #tpu.memory_space<hbm>> -> memref<64xi32, #tpu.memory_space<hbm>>
          tpu.enqueue_dma source(%dma_start3A_298 : memref<64xi32, #tpu.memory_space<hbm>>) target(%arg19 : memref<64xi32, #tpu.memory_space<vmem>>) target_semaphore(%arg52 : memref<!tpu.dma_semaphore, #tpu.memory_space<semaphore_mem>>)
        } else {
        }
      }
      %scan3A_48 = arith.constant 52 : i32
      %dma_wait3A_49 = arith.constant 0 : i32
      %dma_wait3A_50 = arith.constant 0 : i32
      %dma_wait3A_51 = tpu.memref_slice %arg31[%dma_wait3A_49, %dma_wait3A_50] : memref<10000x128xf32, #tpu.memory_space<vmem_shared>> -> memref<10000x128xf32, #tpu.memory_space<vmem_shared>>
      tpu.wait_indirect_dma semaphore(%arg41 : memref<!tpu.dma_semaphore, #tpu.memory_space<semaphore_mem>>) src(%arg28 : memref<64x128xf32, #tpu.memory_space<vmem>>) dst(%dma_wait3A_51 : memref<10000x128xf32, #tpu.memory_space<vmem_shared>>)
      %dma_wait3A_52 = arith.constant 0 : i32
      %dma_wait3A_53 = arith.constant 0 : i32
      %dma_wait3A_54 = tpu.memref_slice %arg31[%dma_wait3A_52, %dma_wait3A_53] : memref<10000x128xf32, #tpu.memory_space<vmem_shared>> -> memref<10000x128xf32, #tpu.memory_space<vmem_shared>>
      tpu.wait_indirect_dma semaphore(%arg42 : memref<!tpu.dma_semaphore, #tpu.memory_space<semaphore_mem>>) src(%arg29 : memref<64x128xf32, #tpu.memory_space<vmem>>) dst(%dma_wait3A_54 : memref<10000x128xf32, #tpu.memory_space<vmem_shared>>)
      %dma_wait3A_55 = arith.constant 0 : i32
      %dma_wait3A_56 = arith.constant 0 : i32
      %dma_wait3A_57 = tpu.memref_slice %arg31[%dma_wait3A_55, %dma_wait3A_56] : memref<10000x128xf32, #tpu.memory_space<vmem_shared>> -> memref<10000x128xf32, #tpu.memory_space<vmem_shared>>
      tpu.wait_indirect_dma semaphore(%arg43 : memref<!tpu.dma_semaphore, #tpu.memory_space<semaphore_mem>>) src(%arg30 : memref<64x128xf32, #tpu.memory_space<vmem>>) dst(%dma_wait3A_57 : memref<10000x128xf32, #tpu.memory_space<vmem_shared>>)
      %dma_wait3A_58 = tpu.memref_slice %arg6[%add3A_10] : memref<320000xi32, #tpu.memory_space<hbm>> -> memref<32xi32, #tpu.memory_space<hbm>>
      %dma_wait3A_59 = tpu.memref_slice %arg6[%add3A_10] : memref<320000xi32, #tpu.memory_space<hbm>> -> memref<32xi32, #tpu.memory_space<hbm>>
      tpu.wait_dma2 semaphore(%arg57 : memref<!tpu.dma_semaphore, #tpu.memory_space<semaphore_mem>>) src(%dma_wait3A_59 : memref<32xi32, #tpu.memory_space<hbm>>) dst(%arg23 : memref<32xi32, #tpu.memory_space<vmem>>)
      %dma_wait3A_60 = tpu.memref_slice %arg7[%add3A_10] : memref<320000xi32, #tpu.memory_space<hbm>> -> memref<32xi32, #tpu.memory_space<hbm>>
      %dma_wait3A_61 = tpu.memref_slice %arg7[%add3A_10] : memref<320000xi32, #tpu.memory_space<hbm>> -> memref<32xi32, #tpu.memory_space<hbm>>
      tpu.wait_dma2 semaphore(%arg58 : memref<!tpu.dma_semaphore, #tpu.memory_space<semaphore_mem>>) src(%dma_wait3A_61 : memref<32xi32, #tpu.memory_space<hbm>>) dst(%arg24 : memref<32xi32, #tpu.memory_space<vmem>>)
      %dma_start3A_62 = arith.constant 0 : i32
      %dma_start3A_63 = arith.constant 0 : i32
      %dma_start3A_64 = tpu.memref_slice %arg25[%dma_start3A_62, %dma_start3A_63] : memref<64x128xf32, #tpu.memory_space<vmem>> -> memref<32x128xf32, #tpu.memory_space<vmem>>
      %dma_start3A_65 = arith.constant 0 : i32
      %dma_start3A_66 = arith.constant 0 : i32
      %dma_start3A_67 = tpu.memref_slice %arg3[%dma_start3A_65, %dma_start3A_66] : memref<10000x128xf32, #tpu.memory_space<hbm>> -> memref<10000x128xf32, #tpu.memory_space<hbm>>
      tpu.enqueue_indirect_dma source(%dma_start3A_67 : memref<10000x128xf32, #tpu.memory_space<hbm>>) target(%dma_start3A_64 : memref<32x128xf32, #tpu.memory_space<vmem>>) offsets(%arg23 : memref<32xi32, #tpu.memory_space<vmem>>) semaphore(%arg32 : memref<!tpu.dma_semaphore, #tpu.memory_space<semaphore_mem>>)
      %dma_wait3A_68 = arith.constant 0 : i32
      %dma_wait3A_69 = arith.constant 0 : i32
      %dma_wait3A_70 = tpu.memref_slice %arg25[%dma_wait3A_68, %dma_wait3A_69] : memref<64x128xf32, #tpu.memory_space<vmem>> -> memref<32x128xf32, #tpu.memory_space<vmem>>
      %dma_wait3A_71 = arith.constant 0 : i32
      %dma_wait3A_72 = arith.constant 0 : i32
      %dma_wait3A_73 = tpu.memref_slice %arg3[%dma_wait3A_71, %dma_wait3A_72] : memref<10000x128xf32, #tpu.memory_space<hbm>> -> memref<10000x128xf32, #tpu.memory_space<hbm>>
      tpu.wait_indirect_dma semaphore(%arg32 : memref<!tpu.dma_semaphore, #tpu.memory_space<semaphore_mem>>) src(%dma_wait3A_73 : memref<10000x128xf32, #tpu.memory_space<hbm>>) dst(%dma_wait3A_70 : memref<32x128xf32, #tpu.memory_space<vmem>>)
      "tpu.region"() ({
        %run_scoped3A = tpu.sem_alloc : memref<!tpu.dma_semaphore, #tpu.memory_space<semaphore_mem>>
        %dma_start3A_74 = arith.constant 0 : i32
        %dma_start3A_75 = arith.constant 0 : i32
        %dma_start3A_76 = tpu.memref_slice %arg25[%dma_start3A_74, %dma_start3A_75] : memref<64x128xf32, #tpu.memory_space<vmem>> -> memref<32x128xf32, #tpu.memory_space<vmem>>
        %dma_start3A_77 = arith.constant 0 : i32
        %dma_start3A_78 = arith.constant 0 : i32
        %dma_start3A_79 = tpu.memref_slice %arg31[%dma_start3A_77, %dma_start3A_78] : memref<10000x128xf32, #tpu.memory_space<vmem_shared>> -> memref<10000x128xf32, #tpu.memory_space<vmem_shared>>
        tpu.enqueue_indirect_dma source(%dma_start3A_76 : memref<32x128xf32, #tpu.memory_space<vmem>>) target(%dma_start3A_79 : memref<10000x128xf32, #tpu.memory_space<vmem_shared>>) offsets(%arg24 : memref<32xi32, #tpu.memory_space<vmem>>) semaphore(%run_scoped3A : memref<!tpu.dma_semaphore, #tpu.memory_space<semaphore_mem>>) {add = true}
        %dma_wait3A_80 = arith.constant 0 : i32
        %dma_wait3A_81 = arith.constant 0 : i32
        %dma_wait3A_82 = tpu.memref_slice %arg25[%dma_wait3A_80, %dma_wait3A_81] : memref<64x128xf32, #tpu.memory_space<vmem>> -> memref<32x128xf32, #tpu.memory_space<vmem>>
        %dma_wait3A_83 = arith.constant 0 : i32
        %dma_wait3A_84 = arith.constant 0 : i32
        %dma_wait3A_85 = tpu.memref_slice %arg31[%dma_wait3A_83, %dma_wait3A_84] : memref<10000x128xf32, #tpu.memory_space<vmem_shared>> -> memref<10000x128xf32, #tpu.memory_space<vmem_shared>>
        tpu.wait_indirect_dma semaphore(%run_scoped3A : memref<!tpu.dma_semaphore, #tpu.memory_space<semaphore_mem>>) src(%dma_wait3A_82 : memref<32x128xf32, #tpu.memory_space<vmem>>) dst(%dma_wait3A_85 : memref<10000x128xf32, #tpu.memory_space<vmem_shared>>)
        tpu.yield
      }) : () -> ()
    } else {
    }
    %barrier3A_34 = arith.constant 0 : index
    tpu.barrier barrier_id(%barrier3A_34)
    %eq3A_35 = arith.constant 0 : i32
    %eq3A_36 = arith.cmpi eq, %arg0, %eq3A_35 : i32
    %convert_element_type3A_37 = arith.extui %eq3A_36 : i1 to i32
    %cond3A_38 = arith.constant 0 : i32
    %cond3A_39 = arith.cmpi ne, %convert_element_type3A_37, %cond3A_38 : i32
    scf.if %cond3A_39 {
      %mul3A_45 = arith.constant 624 : i32
      %mul3A_46 = arith.muli %arg1, %mul3A_45 : i32
      %mul3A_47 = arith.constant 624 : i32
      %mul3A_48 = arith.muli %arg1, %mul3A_47 : i32
      "tpu.region"() ({
        %run_scoped3A = tpu.sem_alloc : memref<!tpu.dma_semaphore, #tpu.memory_space<semaphore_mem>>
        %dma_start3A_54 = arith.constant 0 : i32
        %dma_start3A_55 = tpu.memref_slice %arg10[%mul3A_48, %dma_start3A_54] : memref<10000x128xf32, #tpu.memory_space<hbm>> -> memref<624x128xf32, #tpu.memory_space<hbm>>
        %dma_start3A_56 = arith.constant 0 : i32
        %dma_start3A_57 = tpu.memref_slice %arg31[%mul3A_46, %dma_start3A_56] : memref<10000x128xf32, #tpu.memory_space<vmem_shared>> -> memref<624x128xf32, #tpu.memory_space<vmem_shared>>
        tpu.enqueue_dma source(%dma_start3A_57 : memref<624x128xf32, #tpu.memory_space<vmem_shared>>) target(%dma_start3A_55 : memref<624x128xf32, #tpu.memory_space<hbm>>) target_semaphore(%run_scoped3A : memref<!tpu.dma_semaphore, #tpu.memory_space<semaphore_mem>>)
        %dma_wait3A_58 = arith.constant 0 : i32
        %dma_wait3A_59 = tpu.memref_slice %arg10[%mul3A_48, %dma_wait3A_58] : memref<10000x128xf32, #tpu.memory_space<hbm>> -> memref<624x128xf32, #tpu.memory_space<hbm>>
        %dma_wait3A_60 = arith.constant 0 : i32
        %dma_wait3A_61 = tpu.memref_slice %arg31[%mul3A_46, %dma_wait3A_60] : memref<10000x128xf32, #tpu.memory_space<vmem_shared>> -> memref<624x128xf32, #tpu.memory_space<vmem_shared>>
        tpu.wait_dma2 semaphore(%run_scoped3A : memref<!tpu.dma_semaphore, #tpu.memory_space<semaphore_mem>>) src(%dma_wait3A_61 : memref<624x128xf32, #tpu.memory_space<vmem_shared>>) dst(%dma_wait3A_59 : memref<624x128xf32, #tpu.memory_space<hbm>>)
        tpu.yield
      }) : () -> ()
      %eq3A_49 = arith.constant 15 : i32
      %eq3A_50 = arith.cmpi eq, %arg1, %eq3A_49 : i32
      %convert_element_type3A_51 = arith.extui %eq3A_50 : i1 to i32
      %cond3A_52 = arith.constant 0 : i32
      %cond3A_53 = arith.cmpi ne, %convert_element_type3A_51, %cond3A_52 : i32
      scf.if %cond3A_53 {
        "tpu.region"() ({
          %run_scoped3A = tpu.sem_alloc : memref<!tpu.dma_semaphore, #tpu.memory_space<semaphore_mem>>
          %dma_start3A_54 = arith.constant 9984 : i32
          %dma_start3A_55 = arith.constant 0 : i32
          %dma_start3A_56 = tpu.memref_slice %arg10[%dma_start3A_54, %dma_start3A_55] : memref<10000x128xf32, #tpu.memory_space<hbm>> -> memref<16x128xf32, #tpu.memory_space<hbm>>
          %dma_start3A_57 = arith.constant 9984 : i32
          %dma_start3A_58 = arith.constant 0 : i32
          %dma_start3A_59 = tpu.memref_slice %arg31[%dma_start3A_57, %dma_start3A_58] : memref<10000x128xf32, #tpu.memory_space<vmem_shared>> -> memref<16x128xf32, #tpu.memory_space<vmem_shared>>
          tpu.enqueue_dma source(%dma_start3A_59 : memref<16x128xf32, #tpu.memory_space<vmem_shared>>) target(%dma_start3A_56 : memref<16x128xf32, #tpu.memory_space<hbm>>) target_semaphore(%run_scoped3A : memref<!tpu.dma_semaphore, #tpu.memory_space<semaphore_mem>>)
          %dma_wait3A_60 = arith.constant 9984 : i32
          %dma_wait3A_61 = arith.constant 0 : i32
          %dma_wait3A_62 = tpu.memref_slice %arg10[%dma_wait3A_60, %dma_wait3A_61] : memref<10000x128xf32, #tpu.memory_space<hbm>> -> memref<16x128xf32, #tpu.memory_space<hbm>>
          %dma_wait3A_63 = arith.constant 9984 : i32
          %dma_wait3A_64 = arith.constant 0 : i32
          %dma_wait3A_65 = tpu.memref_slice %arg31[%dma_wait3A_63, %dma_wait3A_64] : memref<10000x128xf32, #tpu.memory_space<vmem_shared>> -> memref<16x128xf32, #tpu.memory_space<vmem_shared>>
          tpu.wait_dma2 semaphore(%run_scoped3A : memref<!tpu.dma_semaphore, #tpu.memory_space<semaphore_mem>>) src(%dma_wait3A_65 : memref<16x128xf32, #tpu.memory_space<vmem_shared>>) dst(%dma_wait3A_62 : memref<16x128xf32, #tpu.memory_space<hbm>>)
          tpu.yield
        }) : () -> ()
      } else {
      }
    } else {
    }
    %eq3A_40 = arith.constant 1 : i32
    %eq3A_41 = arith.cmpi eq, %arg0, %eq3A_40 : i32
    %convert_element_type3A_42 = arith.extui %eq3A_41 : i1 to i32
    %cond3A_43 = arith.constant 0 : i32
    %cond3A_44 = arith.cmpi ne, %convert_element_type3A_42, %cond3A_43 : i32
    scf.if %cond3A_44 {
      %mul3A_45 = arith.constant 624 : i32
      %mul3A_46 = arith.muli %arg1, %mul3A_45 : i32
      %mul3A_47 = arith.constant 624 : i32
      %mul3A_48 = arith.muli %arg1, %mul3A_47 : i32
      "tpu.region"() ({
        %run_scoped3A = tpu.sem_alloc : memref<!tpu.dma_semaphore, #tpu.memory_space<semaphore_mem>>
        %dma_start3A_54 = arith.constant 0 : i32
        %dma_start3A_55 = tpu.memref_slice %arg9[%mul3A_48, %dma_start3A_54] : memref<10000x128xf32, #tpu.memory_space<hbm>> -> memref<624x128xf32, #tpu.memory_space<hbm>>
        %dma_start3A_56 = arith.constant 0 : i32
        %dma_start3A_57 = tpu.memref_slice %arg31[%mul3A_46, %dma_start3A_56] : memref<10000x128xf32, #tpu.memory_space<vmem_shared>> -> memref<624x128xf32, #tpu.memory_space<vmem_shared>>
        tpu.enqueue_dma source(%dma_start3A_57 : memref<624x128xf32, #tpu.memory_space<vmem_shared>>) target(%dma_start3A_55 : memref<624x128xf32, #tpu.memory_space<hbm>>) target_semaphore(%run_scoped3A : memref<!tpu.dma_semaphore, #tpu.memory_space<semaphore_mem>>)
        %dma_wait3A_58 = arith.constant 0 : i32
        %dma_wait3A_59 = tpu.memref_slice %arg9[%mul3A_48, %dma_wait3A_58] : memref<10000x128xf32, #tpu.memory_space<hbm>> -> memref<624x128xf32, #tpu.memory_space<hbm>>
        %dma_wait3A_60 = arith.constant 0 : i32
        %dma_wait3A_61 = tpu.memref_slice %arg31[%mul3A_46, %dma_wait3A_60] : memref<10000x128xf32, #tpu.memory_space<vmem_shared>> -> memref<624x128xf32, #tpu.memory_space<vmem_shared>>
        tpu.wait_dma2 semaphore(%run_scoped3A : memref<!tpu.dma_semaphore, #tpu.memory_space<semaphore_mem>>) src(%dma_wait3A_61 : memref<624x128xf32, #tpu.memory_space<vmem_shared>>) dst(%dma_wait3A_59 : memref<624x128xf32, #tpu.memory_space<hbm>>)
        tpu.yield
      }) : () -> ()
      %eq3A_49 = arith.constant 15 : i32
      %eq3A_50 = arith.cmpi eq, %arg1, %eq3A_49 : i32
      %convert_element_type3A_51 = arith.extui %eq3A_50 : i1 to i32
      %cond3A_52 = arith.constant 0 : i32
      %cond3A_53 = arith.cmpi ne, %convert_element_type3A_51, %cond3A_52 : i32
      scf.if %cond3A_53 {
        "tpu.region"() ({
          %run_scoped3A = tpu.sem_alloc : memref<!tpu.dma_semaphore, #tpu.memory_space<semaphore_mem>>
          %dma_start3A_54 = arith.constant 9984 : i32
          %dma_start3A_55 = arith.constant 0 : i32
          %dma_start3A_56 = tpu.memref_slice %arg9[%dma_start3A_54, %dma_start3A_55] : memref<10000x128xf32, #tpu.memory_space<hbm>> -> memref<16x128xf32, #tpu.memory_space<hbm>>
          %dma_start3A_57 = arith.constant 9984 : i32
          %dma_start3A_58 = arith.constant 0 : i32
          %dma_start3A_59 = tpu.memref_slice %arg31[%dma_start3A_57, %dma_start3A_58] : memref<10000x128xf32, #tpu.memory_space<vmem_shared>> -> memref<16x128xf32, #tpu.memory_space<vmem_shared>>
          tpu.enqueue_dma source(%dma_start3A_59 : memref<16x128xf32, #tpu.memory_space<vmem_shared>>) target(%dma_start3A_56 : memref<16x128xf32, #tpu.memory_space<hbm>>) target_semaphore(%run_scoped3A : memref<!tpu.dma_semaphore, #tpu.memory_space<semaphore_mem>>)
          %dma_wait3A_60 = arith.constant 9984 : i32
          %dma_wait3A_61 = arith.constant 0 : i32
          %dma_wait3A_62 = tpu.memref_slice %arg9[%dma_wait3A_60, %dma_wait3A_61] : memref<10000x128xf32, #tpu.memory_space<hbm>> -> memref<16x128xf32, #tpu.memory_space<hbm>>
          %dma_wait3A_63 = arith.constant 9984 : i32
          %dma_wait3A_64 = arith.constant 0 : i32
          %dma_wait3A_65 = tpu.memref_slice %arg31[%dma_wait3A_63, %dma_wait3A_64] : memref<10000x128xf32, #tpu.memory_space<vmem_shared>> -> memref<16x128xf32, #tpu.memory_space<vmem_shared>>
          tpu.wait_dma2 semaphore(%run_scoped3A : memref<!tpu.dma_semaphore, #tpu.memory_space<semaphore_mem>>) src(%dma_wait3A_65 : memref<16x128xf32, #tpu.memory_space<vmem_shared>>) dst(%dma_wait3A_62 : memref<16x128xf32, #tpu.memory_space<hbm>>)
          tpu.yield
        }) : () -> ()
      } else {
      }
    } else {
    }
    return
  }
}

module attributes {stable_mosaic.version = 14 : i64} {
  func.func @_mm_body(%arg0: i32, %arg1: memref<2000x128xf32, #tpu.memory_space<vmem>>, %arg2: memref<2000x128xf32, #tpu.memory_space<vmem>>, %arg3: memref<128x128xf32, #tpu.memory_space<vmem>>, %arg4: memref<128x128xf32, #tpu.memory_space<vmem>>, %arg5: memref<2000x128xf32, #tpu.memory_space<vmem>>, %arg6: memref<2000x128xf32, #tpu.memory_space<vmem>>) attributes {dimension_semantics = [#tpu.dimension_semantics<arbitrary>], iteration_bounds = array<i64: 5>, scalar_prefetch = 0 : i64, scratch_operands = 0 : i64, tpu.core_type = #tpu.core_type<tc>, window_params = [{transform_indices = @transform_0, window_bounds = array<i64: 2000, 128>}, {transform_indices = @transform_1, window_bounds = array<i64: 2000, 128>}, {pipeline_mode = #tpu.pipeline_mode<synchronous>, transform_indices = @transform_2, window_bounds = array<i64: 128, 128>}, {pipeline_mode = #tpu.pipeline_mode<synchronous>, transform_indices = @transform_3, window_bounds = array<i64: 128, 128>}, {transform_indices = @transform_4, window_bounds = array<i64: 2000, 128>}, {transform_indices = @transform_5, window_bounds = array<i64: 2000, 128>}]} {
    %get3A = arith.constant 0 : index
    %get3A_0 = arith.constant 0 : index
    %get3A_1 = vector.load %arg1[%get3A, %get3A_0] : memref<2000x128xf32, #tpu.memory_space<vmem>>, vector<2000x128xf32>
    %get3A_2 = arith.constant 0 : index
    %get3A_3 = arith.constant 0 : index
    %get3A_4 = vector.load %arg4[%get3A_2, %get3A_3] : memref<128x128xf32, #tpu.memory_space<vmem>>, vector<128x128xf32>
    %dot_general3A = arith.constant dense<0.000000e+00> : vector<2000x128xf32>
    %dot_general3A_5 = tpu.matmul %get3A_1, %get3A_4, %dot_general3A {dimension_numbers = #tpu.dot_dimension_numbers<[1], [0], [0], [1], [0, 0, 1, 1], [], []>, transpose_lhs_hint = false} : vector<2000x128xf32>, vector<128x128xf32>, vector<2000x128xf32> -> vector<2000x128xf32>
    %swap3A = arith.constant 0 : index
    %swap3A_6 = arith.constant 0 : index
    %swap3A_7 = vector.load %arg5[%swap3A, %swap3A_6] : memref<2000x128xf32, #tpu.memory_space<vmem>>, vector<2000x128xf32>
    tpu.vector_store %arg5[%swap3A, %swap3A_6], %dot_general3A_5 {strides = array<i32>} : memref<2000x128xf32, #tpu.memory_space<vmem>>, vector<2000x128xf32>,
    %get3A_8 = arith.constant 0 : index
    %get3A_9 = arith.constant 0 : index
    %get3A_10 = vector.load %arg2[%get3A_8, %get3A_9] : memref<2000x128xf32, #tpu.memory_space<vmem>>, vector<2000x128xf32>
    %get3A_11 = arith.constant 0 : index
    %get3A_12 = arith.constant 0 : index
    %get3A_13 = vector.load %arg3[%get3A_11, %get3A_12] : memref<128x128xf32, #tpu.memory_space<vmem>>, vector<128x128xf32>
    %dot_general3A_14 = arith.constant dense<0.000000e+00> : vector<2000x128xf32>
    %dot_general3A_15 = tpu.matmul %get3A_10, %get3A_13, %dot_general3A_14 {dimension_numbers = #tpu.dot_dimension_numbers<[1], [0], [0], [1], [0, 0, 1, 1], [], []>, transpose_lhs_hint = false} : vector<2000x128xf32>, vector<128x128xf32>, vector<2000x128xf32> -> vector<2000x128xf32>
    %swap3A_16 = arith.constant 0 : index
    %swap3A_17 = arith.constant 0 : index
    %swap3A_18 = vector.load %arg6[%swap3A_16, %swap3A_17] : memref<2000x128xf32, #tpu.memory_space<vmem>>, vector<2000x128xf32>
    tpu.vector_store %arg6[%swap3A_16, %swap3A_17], %dot_general3A_15 {strides = array<i32>} : memref<2000x128xf32, #tpu.memory_space<vmem>>, vector<2000x128xf32>,
    return
  }
  func.func @transform_0(%arg0: i32) -> (i32, i32) {
    %c0_i32 = arith.constant 0 : i32
    %c0_i32_0 = arith.constant 0 : i32
    return %arg0, %c0_i32 : i32, i32
  }
  func.func @transform_1(%arg0: i32) -> (i32, i32) {
    %c0_i32 = arith.constant 0 : i32
    %c0_i32_0 = arith.constant 0 : i32
    return %arg0, %c0_i32 : i32, i32
  }
  func.func @transform_2(%arg0: i32) -> (i32, i32) {
    %c0_i32 = arith.constant 0 : i32
    %c0_i32_0 = arith.constant 0 : i32
    %c0_i32_1 = arith.constant 0 : i32
    return %c0_i32, %c0_i32_0 : i32, i32
  }
  func.func @transform_3(%arg0: i32) -> (i32, i32) {
    %c0_i32 = arith.constant 0 : i32
    %c0_i32_0 = arith.constant 0 : i32
    %c0_i32_1 = arith.constant 0 : i32
    return %c0_i32, %c0_i32_0 : i32, i32
  }
  func.func @transform_4(%arg0: i32) -> (i32, i32) {
    %c0_i32 = arith.constant 0 : i32
    %c0_i32_0 = arith.constant 0 : i32
    return %arg0, %c0_i32 : i32, i32
  }
  func.func @transform_5(%arg0: i32) -> (i32, i32) {
    %c0_i32 = arith.constant 0 : i32
    %c0_i32_0 = arith.constant 0 : i32
    return %arg0, %c0_i32 : i32, i32
  }
}

</mosaic_0001>

<sc_bundles>
// kernel: kernel.4.cloned.1.call-start
scs
__scs_entry_jumppad:
0x0: {  	(pc) =	sbr.rel $0x88, $3  }
0x1: {  	(tag) =	ssettag $0x0;
	lr =	simm.s32 $0x1  }
0x2: {  	[smem:$0x3F99] =	sst lr;
	_ =	strace $0xD0000000  }
0x3: {  	_ = 	snop  }
0x4: {  	_ = 	snop  }
0x5: {  	_ = 	snop  }
0x6: {  	_ = 	snop  }
0x7: {  	_ = 	snop  }
__scs_overlays_trampoline_lowered:
0x8: {  	[smem:$0x3FA8] =	sst s0  }
0x9: {  	[smem:$0x3FA9] =	sst s1  }
0xa: {  	[smem:$0x3FAA] =	sst s2  }
0xb: {  	[smem:$0x3FAB] =	sst s3  }
0xc: {  	[smem:$0x3FAC] =	sst s4  }
0xd: {  	[smem:$0x3FAD] =	sst s5  }
0xe: {  	[smem:$0x3FAE] =	sst s6  }
0xf: {  	[smem:$0x3FAF] =	sst s7  }
0x10: {  	[smem:$0x3FB0] =	sst s8  }
0x11: {  	[smem:$0x3FB1] =	sst s9;
	s0 =	simm.s32 @!p0 $0x0  }
0x12: {  	s1 =	sld [smem:$0x3F97];
	s0 =	simm.s32 @p0 $0x1  }
0x13: {  	[smem:$0x3FB2] =	sst s0;
	s0 =	simm.s32 @!p1 $0x0  }
0x14: {  	s2 =	sld [smem:$0x3F96];
	s0 =	simm.s32 @p1 $0x1  }
0x15: {  	[smem:$0x3FB3] =	sst s0;
	s0 =	simm.s32 @!p2 $0x0  }
0x16: {  	s3 =	sld [smem:$0x3FDB];
	s0 =	simm.s32 @p2 $0x1  }
0x17: {  	s4 =	simm.s32 $0x1BF5;
	[smem:$0x3FB5] =	sst s0  }
0x18: {  	s0 =	sld [smem:$0x3F98];
	_ =	swait.ge [sflag:s4], $0x0  }
0x19: {  	s7 =	sld [smem:$0x3F99]  }
0x1a: {  	s8 =	sadd.s32 $0xFFFFE003, lr  }
0x1b: {  	s9 =	sadd.s32 $0xFFFFFEF7, lr;
	s5 =	simm.s32 $0xFFFFFFFF;
	p2 =	slt.u32 s8, $0xFFFFF086  }
0x1c: {  	p1 =	slt.u32 s9, $0xF7A;
	s5 =	simm.s32 @!p2 $0x0  }
0x1d: {  	s5 =	simm.s32 @p1 $0x1;
	p0 =	seq.s32 s7, s2  }
0x1e: {  	s7 =	smul.u32 @!p0 $0xF7A, s2;
	p2 =	seq.s32 @!p0 s5, $0x0  }
0x1f: {  	s9 =	smul.u32 $0xF7A, s1;
	s8 =	simm.s32 @!p0 $0x1BF5;
	p2 =	por !p2, p0  }
0x20: {  	[sflag:s8] =	ssyncset.s32 @!p0 $0xFFFFF086;
	s6 =	sadd.s32 @!p0 s3, s7;
	s7 =	simm.s32 @!p0 $0x108  }
0x21: {  	s3 =	sadd.s32 s3, s9;
	s6 =	sadd.s32 @!p0 $0x88, s6;
	s7 =	simm.s32 @p2 $0x1082  }
0x22: {  	[simem:s7], [sflag:s8] =	dma.local @!p0 [hbm:s6], $0xF7A  }
0x23: {  	s9 =	sor.u32 $0xD0000000, s2;
	s6 =	simm.s32 $0x108;
	_ =	swait.ge @!p0 [sflag:s8], $0x0  }
0x24: {  	s3 =	sadd.s32 $0x88, s3;
	s6 =	simm.s32 @!p1 $0x1082;
	[sflag:s4] =	ssyncset.s32 $0xFFFFF086  }
0x25: {  	[simem:s6], [sflag:s4] =	dma.local [hbm:s3], $0xF7A  }
0x26: {  	[smem:$0x3F99] =	sst s1;
	(tag) =	ssettag s2;
	_ =	strace s9  }
0x27: {  	s1 =	sld [smem:$0x3FA9]  }
0x28: {  	s2 =	sld [smem:$0x3FAA]  }
0x29: {  	s4 =	sld [smem:$0x3FAC]  }
0x2a: {  	p0 =	seq.s32 s5, $0x0;
	s5 =	sld [smem:$0x3FAD]  }
0x2b: {  	s6 =	sld [smem:$0x3FAE]  }
0x2c: {  	s7 =	sld [smem:$0x3FAF]  }
0x2d: {  	s3 =	simm.s32 $0x108;
	s8 =	sld [smem:$0x3FB0]  }
0x2e: {  	s3 =	simm.s32 @!p0 $0x1082;
	s9 =	sld [smem:$0x3FB1]  }
0x2f: {  	lr =	sadd.s32 s0, s3;
	s0 =	sld [smem:$0x3FA8]  }
0x30: {  	s3 =	sld [smem:$0x3FAB]  }
0x31: {  	[smem:$0x3FB4] =	sst s10  }
0x32: {  	s10 =	sld [smem:$0x3FB2];
	_ =	sdelay $0x3  }
0x33: {  	p0 =	seq.s32 s10, $0x1;
	s10 =	sld [smem:$0x3FB4];
	_ =	sdelay $0x3  }
0x34: {  	[smem:$0x3FB4] =	sst s10  }
0x35: {  	s10 =	sld [smem:$0x3FB3];
	_ =	sdelay $0x3  }
0x36: {  	p1 =	seq.s32 s10, $0x1;
	s10 =	sld [smem:$0x3FB4];
	_ =	sdelay $0x3  }
0x37: {  	[smem:$0x3FB4] =	sst s10  }
0x38: {  	s10 =	sld [smem:$0x3FB5]  }
0x39: {  	_ = 	snop;
	(pc) =	sbr.ind lr, $3  }
0x3a: {  	_ = 	snop  }
0x3b: {  	_ = 	snop  }
0x3c: {  	p2 =	seq.s32 s10, $0x1;
	s10 =	sld [smem:$0x3FB4]  }
0x3d: {  	_ =	shalt  }
0x3e: {  	_ =	shalt  }
0x3f: {  	_ =	shalt  }
0x40: {  	_ =	shalt  }
0x41: {  	_ =	shalt  }
0x42: {  	_ =	shalt  }
0x43: {  	_ =	shalt  }
0x44: {  	_ =	shalt  }
0x45: {  	_ =	shalt  }
0x46: {  	_ =	shalt  }
0x47: {  	_ =	shalt  }
0x48: {  	_ =	shalt  }
0x49: {  	_ =	shalt  }
0x4a: {  	_ =	shalt  }
0x4b: {  	_ =	shalt  }
0x4c: {  	_ =	shalt  }
0x4d: {  	_ =	shalt  }
0x4e: {  	_ =	shalt  }
0x4f: {  	_ =	shalt  }
0x50: {  	_ =	shalt  }
0x51: {  	_ =	shalt  }
0x52: {  	_ =	shalt  }
0x53: {  	_ =	shalt  }
0x54: {  	_ =	shalt  }
0x55: {  	_ =	shalt  }
0x56: {  	_ =	shalt  }
0x57: {  	_ =	shalt  }
0x58: {  	_ =	shalt  }
0x59: {  	_ =	shalt  }
0x5a: {  	_ =	shalt  }
0x5b: {  	_ =	shalt  }
0x5c: {  	_ =	shalt  }
0x5d: {  	_ =	shalt  }
0x5e: {  	_ =	shalt  }
0x5f: {  	_ =	shalt  }
0x60: {  	_ =	shalt  }
0x61: {  	_ =	shalt  }
0x62: {  	_ =	shalt  }
0x63: {  	_ =	shalt  }
0x64: {  	_ =	shalt  }
0x65: {  	_ =	shalt  }
0x66: {  	_ =	shalt  }
0x67: {  	_ =	shalt  }
0x68: {  	_ =	shalt  }
0x69: {  	_ =	shalt  }
0x6a: {  	_ =	shalt  }
0x6b: {  	_ =	shalt  }
0x6c: {  	_ =	shalt  }
0x6d: {  	_ =	shalt  }
0x6e: {  	_ =	shalt  }
0x6f: {  	_ =	shalt  }
0x70: {  	_ =	shalt  }
0x71: {  	_ =	shalt  }
0x72: {  	_ =	shalt  }
0x73: {  	_ =	shalt  }
0x74: {  	_ =	shalt  }
0x75: {  	_ =	shalt  }
0x76: {  	_ =	shalt  }
0x77: {  	_ =	shalt  }
0x78: {  	_ =	shalt  }
0x79: {  	_ =	shalt  }
0x7a: {  	_ =	shalt  }
0x7b: {  	_ =	shalt  }
0x7c: {  	_ =	shalt  }
0x7d: {  	_ =	shalt  }
0x7e: {  	_ =	shalt  }
0x7f: {  	_ =	shalt  }
0x80: {  	_ =	shalt  }
0x81: {  	_ =	shalt  }
0x82: {  	_ =	shalt  }
0x83: {  	_ =	shalt  }
0x84: {  	_ =	shalt  }
0x85: {  	_ =	shalt  }
0x86: {  	_ =	shalt  }
0x87: {  	_ =	shalt  }
.Lfunc_end0:
.L_simem_size_0:
called_computation_lowered:
.L_overlay_start_0:
0x88: {  	s2 =	sld [smem:$0x3FD9]  }
0x89: {  	s3 =	sld [smem:$0x3FFE];
	_ =	sdelay $0x1  }
0x8a: {  	s1 =	srdreg.scid  }
0x8b: {  	s0 =	sand.u32 $0x1, s1  }
0x8c: {  	s14 =	sshll.u32 s0, $0xA;
	s2 =	sadd.s32 s3, s2  }
0x8d: {  	s2 =	sadd.s32 s2, s14  }
0x8e: {  	[smem:$0x3FC0] =	sst s2  }
0x8f: {  	_ = 	snop  }
0x90: {  	s2 =	sld [smem:$0x3FC9]  }
0x91: {  	s15 =	sld [smem:$0x3FC8]  }
0x92: {  	s4 =	sld [smem:$0x3FC5]  }
0x93: {  	s5 =	sld [smem:$0x3FD0]  }
0x94: {  	s6 =	sld [smem:$0x3FC4]  }
0x95: {  	s7 =	sld [smem:$0x3FC3]  }
0x96: {  	s9 =	simm.s32 $0xA;
	s10 =	simm.s32 $0x10;
	s8 =	sld [smem:$0x3FC2]  }
0x97: {  	[smem:s10], [sflag:s9] =	dma.local [hbm:s5], $0x1  }
0x98: {  	_ =	swait.eq [sflag:s9], $0x1  }
0x99: {  	[sflag:s9] =	ssyncset.done $0x0  }
0x9a: {  	s16 =	sld [smem:$0x10];
	[sflag:s9] =	ssyncadd.s32 $0xFFFFFFFF  }
0x9b: {  	s17 =	sld [smem:$0x11];
	(tm) =	ssettm $0x1  }
0x9c: {  	s18 =	sld [smem:$0x3FFB];
	_ =	sdelay $0x3  }
0x9d: {  	_ =	strace s18  }
0x9e: {  	s10 =	sld [smem:$0x3FFC];
	_ =	sdelay $0x3  }
0x9f: {  	_ =	strace s10  }
0xa0: {  	s10 =	sld [smem:$0x3FFD];
	_ =	sdelay $0x3  }
0xa1: {  	_ =	strace s10  }
0xa2: {  	_ =	strace $0x8FFFFFFF  }
0xa3: {  	s19 =	sld [smem:$0x3FDB];
	_ =	sdelay $0x1  }
0xa4: {  	s11 =	simm.s32 $_scs_section_size  }
0xa5: {  	s12 =	simm.s32 $_size__tile_overlayer_lowered;
	s13 =	simm.s32 $_tile_overlayer_lowered  }
0xa6: {  	s22 =	simm.s32 $0x1BFF;
	s21 =	sshll.u32 s13, $0x1;
	s10 =	sadd.s32 s11, s19  }
0xa7: {  	s20 =	sshll.u32 s12, $0x1;
	s14 =	simm.s32 $0x0;
	s12 =	sadd.s32 s21, s10  }
0xa8: {  	[timem:s14], [sflag:s22] =	dma.local [hbm:s12], s20  }
0xa9: {  	_ =	swait.ge [sflag:s22], s20  }
0xaa: {  	s11 =	ssub.s32 $0x0, s20;
	[sflag:s22] =	ssyncset.done $0x0  }
0xab: {  	[sflag:s22] =	ssyncadd.s32 s11;
	_ =	sdelay $0x1  }
0xac: {  	s23 =	simm.s32 $0x1B8B  }
0xad: {  	_ =	swait.ge [sflag:s23], $0x1  }
0xae: {  	[sflag:s23] =	ssyncset.done $0x0  }
0xaf: {  	s25 =	simm.s32 $0x1B8E;
	s24 =	sld [smem:$0x3FFE];
	[sflag:s23] =	ssyncadd.s32 $0xFFFFFFFF  }
0xb0: {  	s26 =	simm.s32 $execute0_lowered;
	[smem:$0x3FD2] =	sst s25  }
0xb1: {  	s12 =	sshll.u32 s26, $0x1;
	_ =	strace $0x80000046;
	[dreg:$0x1] =	wrdreg $0xFFFFFFFF  }
0xb2: {  	s28 =	simm.s32 $_size_execute0_lowered;
	s10 =	sadd.s32 s10, s12;
	[dreg:$0x0] =	wrdreg $0x0  }
0xb3: {  	s12 =	sshll.u32 s28, $0x1;
	[dreg:$0x2] =	wrdreg s10  }
0xb4: {  	[dreg:$0x3] =	wrdreg s12  }
0xb5: {  	[dreg:$0x4] =	wrdreg $0xC0  }
0xb6: {  	_ =	task [dreg:s14], $0x5FFFF  }
0xb7: {  	[dreg:$0x1] =	wrdreg $0xFFFFFFFF  }
0xb8: {  	[dreg:$0x0] =	wrdreg $0x60  }
0xb9: {  	[dreg:$0x2] =	wrdreg s2  }
0xba: {  	[dreg:$0x3] =	wrdreg s15  }
0xbb: {  	[dreg:$0x4] =	wrdreg s4  }
0xbc: {  	[dreg:$0x5] =	wrdreg s6  }
0xbd: {  	[dreg:$0x6] =	wrdreg s7  }
0xbe: {  	[dreg:$0x7] =	wrdreg s8  }
0xbf: {  	[dreg:$0x8] =	wrdreg s24  }
0xc0: {  	[dreg:$0x9] =	wrdreg s17  }
0xc1: {  	[dreg:$0xa] =	wrdreg s16  }
0xc2: {  	[dreg:$0xb] =	wrdreg $0xC7000  }
0xc3: {  	[dreg:$0xc] =	wrdreg $0x9  }
0xc4: {  	_ =	task.clear_ibuf [dreg:s14], $0xDFFFF;
	_ =	strace $0x90000046  }
0xc5: {  	s29 =	simm.s32 $0x9;
	_ =	strace $0x80000048  }
0xc6: {  	_ =	swait.ge [sflag:s29], $0x1  }
0xc7: {  	[sflag:s29] =	ssyncadd.s32 $0xFFFFFFFF  }
0xc8: {  	_ =	strace $0x90000048  }
0xc9: {  	_ =	sfence  }
0xca: {  	s30 =	sld [smem:$0x0];
	_ =	sdelay $0x2  }
0xcb: {  	s31 =	sshll.u32 s1, $0xD;
	s1 =	sshrl.u32 s1, $0x2  }
0xcc: {  	s3 =	sand.u32 $0x4000, s31;
	s1 =	sadd.s32 s1, s30  }
0xcd: {  	s0 =	sor.u32 s3, s0;
	s1 =	sshll.u32 s1, $0x11  }
0xce: {  	s0 =	sor.u32 s1, s0  }
0xcf: {  	s0 =	sadd.s32 $0x8F2B, s0  }
0xd0: {  	[sflag:s0] =	ssyncadd.remote.s32 $0x1  }
0xd1: {  	_ =	sfence.sel $0xFFFF  }
0xd2: {  	[dreg:$0x0] =	wrdreg $0xFFFFFFFF;
	(pc) =	sbr.abs _section_cstart, $3  }
0xd3: {  	[dreg:$0x1] =	wrdreg $0xFFFFFFFF  }
0xd4: {  	_ =	task.clear_ibuf [dreg:s14], $0x2FFFF;
	_ =	strace $0x9FFFFFFF  }
0xd5: {  	(tm) =	ssettm $0x7FFFFFFF  }
tec
execute0_lowered:
.L_overlay_start_1:
0x0: {  	(tag) =	ssettag $0x1  }
0x1: {  	s0 =	rddreg [dreg:$0x0]  }
0x2: {  	s1 =	rddreg [dreg:$0x1]  }
0x3: {  	s2 =	rddreg [dreg:$0x2]  }
0x4: {  	s3 =	rddreg [dreg:$0x3]  }
0x5: {  	s4 =	rddreg [dreg:$0x4]  }
0x6: {  	s5 =	rddreg [dreg:$0x5]  }
0x7: {  	s8 =	rddreg [dreg:$0x6]  }
0x8: {  	s16 =	rddreg [dreg:$0x7]  }
0x9: {  	s17 =	rddreg [dreg:$0x8]  }
0xa: {  	s6 =	rddreg [dreg:$0x9];
	s9 =	srdreg.scid  }
0xb: {  	s7 =	simm.s32 $0x0;
	s18 =	stileid.u32;
	s31 =	simm.s32 $0x1  }
0xc: {  	s9 =	sand.u32 $0x1, s9;
	[smem:$0x7FF] =	sst s7;
	s11 =	smul.u32 $0x4E000, s18  }
0xd: {  	s13 =	smul.u32 $0x4E20, s18;
	s8 =	sadd.s32 $0x1000, s8;
	s14 =	smov.u32 s5  }
0xe: {  	s22 =	smul.u32 $0x2700, s18;
	s10 =	ssub.s32 $0x2, s9;
	_ =	strace $0x80000047  }
0xf: {  	[dreg:$0xb] =	wrdreg s8;
	p1 =	seq.s32 s9, $0x0;
	s12 =	sshrl.u32 s10, $0x1  }
0x10: {  	s26 =	sshrl.u32 s11, $0x2;
	s28 =	sshrl.u32 s13, $0x3;
	s23 =	sadd.s32 s16, s22  }
0x11: {  	s11 =	smov.u32 s4;
	s24 =	sadd.s32 s17, s22;
	[dreg:$0x18] =	wrdreg s23  }
0x12: {  	s1 =	smov.u32 @p1 s0;
	s25 =	ssub.s32 s10, s12;
	[dreg:$0x1a] =	wrdreg s24  }
0x13: {  	s10 =	sadd.s32 s26, s6;
	s29 =	sadd.s32 $0x8, s28;
	[dreg:$0x19] =	wrdreg s1  }
0x14: {  	s11 =	smov.u32 @p1 s2;
	s26 =	sshll.u32 s18, $0x6;
	[dreg:$0xc] =	wrdreg s10  }
0x15: {  	s13 =	sadd.s32 $0x10, s28;
	s20 =	sadd.s32 s11, s29;
	[dreg:$0x1c] =	wrdreg s26  }
0x16: {  	s14 =	smov.u32 @p1 s3;
	s30 =	sadd.s32 s11, s13;
	[dreg:$0xe] =	wrdreg s20  }
0x17: {  	p2 =	seq.s32 s18, $0xF;
	s10 =	sadd.s32 s14, s28;
	[dreg:$0xf] =	wrdreg s30  }
0x18: {  	p0 =	sne.s32 s9, $0x0;
	s12 =	sadd.s32 s14, s29;
	[dreg:$0x10] =	wrdreg s10  }
0x19: {  	s15 =	sadd.s32 $0x9C0, s28;
	s13 =	sadd.s32 s14, s13;
	[dreg:$0x11] =	wrdreg s12  }
0x1a: {  	s19 =	sadd.s32 s11, s28;
	s11 =	sadd.s32 s11, s15;
	[dreg:$0x12] =	wrdreg s13  }
0x1b: {  	s22 =	simm.s32 $0x4;
	s21 =	sadd.s32 s14, s15;
	[dreg:$0x13] =	wrdreg s11  }
0x1c: {  	s17 =	simm.s32 $0x5;
	s25 =	smax.u32 s25, $0x1;
	[dreg:$0x14] =	wrdreg s21  }
0x1d: {  	p1 =	sne.s32 s18, $0xF;
	s0 =	sor.u32 $0x1C19, s26;
	[dreg:$0x1b] =	wrdreg s25  }
0x1e: {  	s23 =	simm.s32 $0x3;
	s28 =	sadd.s32 $0x138000, s6;
	[dreg:$0x1d] =	wrdreg s0  }
0x1f: {  	s24 =	simm.s32 $0x16;
	s14 =	simm.s32 $0x40;
	[dreg:$0x1e] =	wrdreg s28  }
0x20: {  	s20 =	smul.u32 $0x9C4, s18;
	s29 =	sadd.s32 $0x18, s19;
	[dreg:$0xd] =	wrdreg s19  }
0x21: {  	s15 =	simm.s32 $0x6;
	s30 =	sadd.s32 $0x20, s19;
	[dreg:$0x1f] =	wrdreg s29  }
0x22: {  	s25 =	simm.s32 $0x200;
	[smem:$0x7FD] =	sst s30;
	s5 =	sadd.s32 s20, s5  }
.Ltmp0:
0x23: {  	s4 =	sadd.s32 s20, s4;
	[dreg:$0x15] =	wrdreg s5;
	(pc) =	sbr.rel .LBB2_1-.Ltmp0, $4  }
0x24: {  	s10 =	simm.s32 $0x600;
	s3 =	sadd.s32 s20, s3;
	[dreg:$0x16] =	wrdreg s4  }
0x25: {  	s12 =	simm.s32 $0x680;
	s2 =	sadd.s32 s20, s2;
	[smem:$0x7FC] =	sst s3  }
0x26: {  	s19 =	simm.s32 $0x18;
	s20 =	simm.s32 $0x400;
	[dreg:$0x17] =	wrdreg s2  }
0x27: {  	s3 =	simm.s32 $0x15;
	s2 =	simm.s32 $0x17;
	s5 =	simm.s32 $0x0  }
.LBB2_8:
0x28: {  	s1 =	rddreg [dreg:$0x1e]  }
0x29: {  	s0 =	sadd.s32 $0x27000, s9;
	s30 =	simm.s32 $0x1C;
	s1 =	sshrl.u32 s1, $0x3  }
0x2a: {  	[hbm:s0], [sflag:s4] =	dma.local [spmem:s1], $0x100  }
0x2b: {  	_ =	swait.ge [sflag:s30], $0x100  }
0x2c: {  	[sflag:s30] =	ssyncset.done $0x0  }
0x2d: {  	[sflag:s30] =	ssyncadd.s32 $0xFFFFFF00  }
.LBB2_9:
0x2e: {  	s5 =	sadd.s32 $0x1, s5;
	s0 =	rddreg [dreg:$0x1b]  }
0x2f: {  	p3 =	sne.s32 s5, s0  }
.Ltmp1:
0x30: {  	_ = 	snop;
	(pc) =	sbr.rel @!p3 .LBB2_10-.Ltmp1, $2  }
0x31: {  	_ =	sdelay $0x2  }
0x32: {  	s20 =	simm.s32 $0x400  }
.LBB2_1:
0x33: {  	[smem:$0x7FA] =	sst s5  }
0x34: {  	s0 =	rddreg [dreg:$0xc]  }
0x35: {  	s1 =	rddreg [dreg:$0x1d]  }
0x36: {  	s4 =	sshrl.u32 s0, $0x3;
	s0 =	rddreg [dreg:$0xb]  }
0x37: {  	[smem:$0x7FB] =	sst s4  }
0x38: {  	[spmem:s4], [sflag:s1] =	dma.local [hbm:s0], $0x2700  }
0x39: {  	s1 =	rddreg [dreg:$0x1e]  }
0x3a: {  	s9 =	simm.s32 @!p1 $0x1FDC;
	s4 =	sshrl.u32 @!p1 s1, $0x3  }
0x3b: {  	[spmem:s4], [sflag:s9] =	dma.local @!p1 [hbm:s0], $0x100  }
0x3c: {  	s4 =	simm.s32 @!p1 $0x1C  }
0x3d: {  	_ =	swait.ge @!p1 [sflag:s4], $0x100  }
0x3e: {  	[sflag:s4] =	ssyncset.done @!p1 $0x0;
	s13 =	rddreg [dreg:$0xd]  }
0x3f: {  	s16 =	rddreg [dreg:$0xe];
	[sflag:s4] =	ssyncadd.s32 @!p1 $0xFFFFFF00  }
0x40: {  	[tilespmem:s7], [sflag:$0xD] =	stream.linear.gather [hbm4b:s13+s7], $0x40, $0x38;
	[tilespmem:$0x1FF80] =	vst v63  }
0x41: {  	s1 =	simm.s32 $0x80;
	s18 =	rddreg [dreg:$0xf]  }
0x42: {  	[tilespmem:s1], [sflag:$0xE] =	stream.linear.gather [hbm4b:s16+s7], $0x40, $0x38;
	[tilespmem:$0x1FF80] =	vst v63  }
0x43: {  	s21 =	rddreg [dreg:$0x1f];
	s4 =	simm.s32 $0x100  }
0x44: {  	[tilespmem:s4], [sflag:$0xF] =	stream.linear.gather [hbm4b:s18+s7], $0x40, $0x38;
	[tilespmem:$0x1FF80] =	vst v63  }
0x45: {  	s8 =	simm.s32 $0x180;
	s26 =	sld [smem:$0x7FD]  }
0x46: {  	[tilespmem:s8], [sflag:$0x10] =	stream.linear.gather [hbm4b:s21+s7], $0x40, $0x38;
	[tilespmem:$0x1FF80] =	vst v63  }
0x47: {  	_ = 	snop  }
0x48: {  	[tilespmem:s25], [sflag:$0x11] =	stream.linear.gather [hbm4b:s26+s7], $0x40, $0x38;
	[tilespmem:$0x1FF80] =	vst v63  }
0x49: {  	s29 =	simm.s32 $0x300;
	s28 =	rddreg [dreg:$0x10]  }
0x4a: {  	[tilespmem:s29], [sflag:$0x13] =	stream.linear.gather [hbm4b:s28+s7], $0x40, $0x38;
	[tilespmem:$0x1FF80] =	vst v63  }
0x4b: {  	s5 =	simm.s32 $0x380;
	s30 =	rddreg [dreg:$0x11]  }
0x4c: {  	[tilespmem:s5], [sflag:$0x14] =	stream.linear.gather [hbm4b:s30+s7], $0x40, $0x38;
	[tilespmem:$0x1FF80] =	vst v63  }
0x4d: {  	s8 =	rddreg [dreg:$0x12]  }
0x4e: {  	[tilespmem:s20], [sflag:$0x15] =	stream.linear.gather [hbm4b:s8+s7], $0x40, $0x38;
	[tilespmem:$0x1FF80] =	vst v63  }
0x4f: {  	s9 =	rddreg [dreg:$0x13]  }
0x50: {  	[tilespmem:s10], [sflag:$0x1A] =	stream.linear.gather [hbm4b:s9+s7], $0x20, $0x38;
	[tilespmem:$0x1FF80] =	vst v63  }
0x51: {  	s11 =	rddreg [dreg:$0x14];
	s13 =	simm.s32 $0xD  }
0x52: {  	[tilespmem:s12], [sflag:$0x1B] =	stream.linear.gather [hbm4b:s11+s7], $0x20, $0x38;
	[tilespmem:$0x1FF80] =	vst v63  }
0x53: {  	_ =	swait.ge [sflag:s13], $0x40  }
0x54: {  	s18 =	simm.s32 $0x700;
	[sflag:s13] =	ssyncset.done $0x0  }
0x55: {  	s21 =	simm.s32 $0xE;
	s16 =	rddreg [dreg:$0x19];
	[sflag:s13] =	ssyncadd.s32 $0xFFFFFFC0  }
0x56: {  	[tilespmem:s18], [sflag:$0x1] =	stream.indirect.gather [hbm4b:s16+s14], $0x80, s7, s14, $0xb8;
	[tilespmem:$0x1FF80] =	vst v63  }
0x57: {  	_ =	swait.ge [sflag:s21], $0x40  }
0x58: {  	[sflag:s21] =	ssyncset.done $0x0  }
0x59: {  	s26 =	simm.s32 $0x2700;
	s28 =	simm.s32 $0xF;
	[sflag:s21] =	ssyncadd.s32 $0xFFFFFFC0  }
0x5a: {  	[tilespmem:s26], [sflag:$0x2] =	stream.indirect.gather [hbm4b:s16+s14], $0x80, s1, s14, $0xb8;
	[tilespmem:$0x1FF80] =	vst v63  }
0x5b: {  	_ =	swait.ge [sflag:s28], $0x40  }
0x5c: {  	[sflag:s28] =	ssyncset.done $0x0  }
0x5d: {  	s29 =	simm.s32 $0x4700;
	s30 =	simm.s32 $0x19;
	[sflag:s28] =	ssyncadd.s32 $0xFFFFFFC0  }
0x5e: {  	[tilespmem:s29], [sflag:$0x3] =	stream.indirect.gather [hbm4b:s16+s14], $0x80, s4, s14, $0xb8;
	[tilespmem:$0x1FF80] =	vst v63  }
.Ltmp2:
0x5f: {  	_ =	swait.ge [sflag:s30], $0x2700;
	(pc) =	sbr.rel @p0 .LBB2_5-.Ltmp2, $4  }
0x60: {  	[sflag:s30] =	ssyncset.done $0x0  }
0x61: {  	[sflag:s30] =	ssyncadd.s32 $0xFFFFD900  }
0x62: {  	[bflag:$0x0] =	sbarrier.arrive $0xFFFF  }
0x63: {  	s21 =	simm.s32 $0x0;
	s4 =	simm.s32 $0x0  }
.LBB2_2:
0x64: {  	p4 =	seq.s32 s21, $0x0  }
0x65: {  	s4 =	simm.s32 @!p4 $0xA  }
0x66: {  	_ =	swait.ge @!p4 [sflag:s4], $0x2000  }
0x67: {  	[sflag:s4] =	ssyncset.done @!p4 $0x0  }
0x68: {  	s0 =	simm.s32 $0x10;
	[sflag:s4] =	ssyncadd.s32 @!p4 $0xFFFFE000  }
0x69: {  	_ =	swait.ge [sflag:s0], $0x40  }
0x6a: {  	[sflag:s0] =	ssyncset.done $0x0  }
0x6b: {  	[sflag:s0] =	ssyncadd.s32 $0xFFFFFFC0  }
0x6c: {  	s13 =	simm.s32 $0x180;
	s11 =	simm.s32 $0x6700;
	s18 =	rddreg [dreg:$0x0]  }
0x6d: {  	[tilespmem:s11], [sflag:$0x4] =	stream.indirect.gather [hbm4b:s18+s14], $0x80, s13, s14, $0xb8;
	[tilespmem:$0x1FF80] =	vst v63  }
0x6e: {  	_ =	swait.ge [sflag:s31], $0x2000  }
0x6f: {  	[sflag:s31] =	ssyncset.done $0x0  }
0x70: {  	s16 =	simm.s32 $0x13;
	[sflag:s31] =	ssyncadd.s32 $0xFFFFE000  }
0x71: {  	_ =	swait.ge [sflag:s16], $0x40  }
0x72: {  	s26 =	simm.s32 $0x300;
	[sflag:s16] =	ssyncset.done $0x0  }
0x73: {  	s1 =	simm.s32 $0x700;
	s0 =	rddreg [dreg:$0x17];
	[sflag:s16] =	ssyncadd.s32 $0xFFFFFFC0  }
0x74: {  	[spmem:s6] =	stream.indirect.scatter.add.f32 [tilespmem:s1], [sflag:$0x7], $0x80, s26, s14, $0xb8;
	[tilespmem:$0x1FF80] =	vst v63  }
0x75: {  	s4 =	sadd.s32 s21, s0;
	s1 =	sld [smem:$0x7FC]  }
0x76: {  	s28 =	simm.s32 $0x280;
	s9 =	sadd.s32 $0x28, s4  }
0x77: {  	[tilespmem:s28], [sflag:$0x12] =	stream.linear.gather [hbm4b:s9+s7], $0x40, $0x38;
	[tilespmem:$0x1FF80] =	vst v63  }
0x78: {  	s9 =	sadd.s32 s21, s1  }
0x79: {  	s26 =	simm.s32 $0x480;
	s12 =	sadd.s32 $0x18, s9  }
0x7a: {  	[tilespmem:s26], [sflag:$0x16] =	stream.linear.gather [hbm4b:s12+s7], $0x40, $0x38;
	[tilespmem:$0x1FF80] =	vst v63  }
0x7b: {  	s12 =	simm.s32 @!p4 $0xB  }
0x7c: {  	_ =	swait.ge @!p4 [sflag:s12], $0x2000  }
0x7d: {  	[sflag:s12] =	ssyncset.done @!p4 $0x0  }
0x7e: {  	s8 =	simm.s32 $0x11;
	[sflag:s12] =	ssyncadd.s32 @!p4 $0xFFFFE000  }
0x7f: {  	_ =	swait.ge [sflag:s8], $0x40  }
0x80: {  	[sflag:s8] =	ssyncset.done $0x0  }
0x81: {  	s29 =	simm.s32 $0x2;
	s13 =	simm.s32 $0x8700;
	[sflag:s8] =	ssyncadd.s32 $0xFFFFFFC0  }
0x82: {  	[tilespmem:s13], [sflag:$0x5] =	stream.indirect.gather [hbm4b:s18+s14], $0x80, s25, s14, $0xb8;
	[tilespmem:$0x1FF80] =	vst v63  }
0x83: {  	_ =	swait.ge [sflag:s29], $0x2000  }
0x84: {  	[sflag:s29] =	ssyncset.done $0x0  }
0x85: {  	s30 =	simm.s32 $0x14;
	[sflag:s29] =	ssyncadd.s32 $0xFFFFE000  }
0x86: {  	_ =	swait.ge [sflag:s30], $0x40  }
0x87: {  	s5 =	simm.s32 $0x380;
	p3 =	seq.s32 s21, $0x990;
	[sflag:s30] =	ssyncset.done $0x0  }
0x88: {  	s10 =	simm.s32 $0x2700;
	s12 =	sadd.s32 @!p3 s21, s0;
	[sflag:s30] =	ssyncadd.s32 $0xFFFFFFC0  }
0x89: {  	[spmem:s6] =	stream.indirect.scatter.add.f32 [tilespmem:s10], [sflag:$0x8], $0x80, s5, s14, $0xb8;
	[tilespmem:$0x1FF80] =	vst v63  }
0x8a: {  	s30 =	simm.s32 @!p3 $0x0;
	s10 =	sadd.s32 @!p3 $0x30, s12  }
0x8b: {  	[tilespmem:s30], [sflag:$0xD] =	stream.linear.gather @!p3 [hbm4b:s10+s30], $0x40, $0x38;
	[tilespmem:$0x1FF80] =	vst v63  }
0x8c: {  	s16 =	simm.s32 $0x500;
	s8 =	sadd.s32 $0x20, s9;
	s10 =	simm.s32 @!p4 $0xC  }
0x8d: {  	[tilespmem:s16], [sflag:$0x17] =	stream.linear.gather [hbm4b:s8+s7], $0x40, $0x38;
	[tilespmem:$0x1FF80] =	vst v63  }
0x8e: {  	_ =	swait.ge @!p4 [sflag:s10], $0x2000  }
0x8f: {  	[sflag:s10] =	ssyncset.done @!p4 $0x0  }
0x90: {  	s25 =	simm.s32 $0x12;
	[sflag:s10] =	ssyncadd.s32 @!p4 $0xFFFFE000  }
0x91: {  	_ =	swait.ge [sflag:s25], $0x40  }
0x92: {  	[sflag:s25] =	ssyncset.done $0x0  }
0x93: {  	s5 =	simm.s32 $0xA700;
	[sflag:s25] =	ssyncadd.s32 $0xFFFFFFC0  }
0x94: {  	[tilespmem:s5], [sflag:$0x6] =	stream.indirect.gather [hbm4b:s18+s14], $0x80, s28, s14, $0xb8;
	[tilespmem:$0x1FF80] =	vst v63  }
0x95: {  	_ =	swait.ge [sflag:s23], $0x2000  }
0x96: {  	[sflag:s23] =	ssyncset.done $0x0  }
0x97: {  	[sflag:s23] =	ssyncadd.s32 $0xFFFFE000  }
0x98: {  	_ =	swait.ge [sflag:s3], $0x40  }
0x99: {  	[sflag:s3] =	ssyncset.done $0x0  }
0x9a: {  	s29 =	simm.s32 $0x4700;
	s10 =	sadd.s32 @p3 s21, s1;
	[sflag:s3] =	ssyncadd.s32 $0xFFFFFFC0  }
0x9b: {  	[spmem:s6] =	stream.indirect.scatter.add.f32 [tilespmem:s29], [sflag:$0x9], $0x80, s20, s14, $0xb8;
	[tilespmem:$0x1FF80] =	vst v63  }
0x9c: {  	s10 =	sadd.s32 @p3 $0x28, s10;
	s25 =	simm.s32 @p3 $0x580;
	s29 =	simm.s32 @p3 $0x0  }
0x9d: {  	[tilespmem:s25], [sflag:$0x18] =	stream.linear.gather @p3 [hbm4b:s10+s29], $0x40, $0x38;
	[tilespmem:$0x1FF80] =	vst v63  }
0x9e: {  	s10 =	simm.s32 @p3 $0x7  }
0x9f: {  	_ =	swait.ge @p3 [sflag:s10], $0x2000  }
0xa0: {  	[sflag:s10] =	ssyncset.done @p3 $0x0  }
0xa1: {  	s25 =	simm.s32 @!p3 $0x80;
	[sflag:s10] =	ssyncadd.s32 @p3 $0xFFFFE000;
	s10 =	sadd.s32 @!p3 $0x38, s12  }
0xa2: {  	[tilespmem:s25], [sflag:$0xE] =	stream.linear.gather @!p3 [hbm4b:s10+s30], $0x40, $0x38;
	[tilespmem:$0x1FF80] =	vst v63  }
0xa3: {  	s10 =	sadd.s32 @!p3 s21, s1  }
0xa4: {  	s8 =	simm.s32 @!p3 $0x580;
	s29 =	sadd.s32 @!p3 $0x28, s10  }
0xa5: {  	[tilespmem:s8], [sflag:$0x18] =	stream.linear.gather @!p3 [hbm4b:s29+s30], $0x40, $0x38;
	[tilespmem:$0x1FF80] =	vst v63  }
0xa6: {  	s8 =	simm.s32 @!p3 $0x7  }
0xa7: {  	_ =	swait.ge @!p3 [sflag:s8], $0x2000  }
0xa8: {  	[sflag:s8] =	ssyncset.done @!p3 $0x0  }
0xa9: {  	[sflag:s8] =	ssyncadd.s32 @!p3 $0xFFFFE000;
	s8 =	simm.s32 @!p3 $0xD  }
0xaa: {  	_ =	swait.ge @!p3 [sflag:s8], $0x40  }
0xab: {  	[sflag:s8] =	ssyncset.done @!p3 $0x0  }
0xac: {  	s29 =	simm.s32 @!p3 $0x700;
	[sflag:s8] =	ssyncadd.s32 @!p3 $0xFFFFFFC0;
	s8 =	simm.s32 @!p3 $0x40  }
0xad: {  	[tilespmem:s29], [sflag:$0x1] =	stream.indirect.gather @!p3 [hbm4b:s18+s8], $0x80, s30, s8, $0xb8;
	[tilespmem:$0x1FF80] =	vst v63  }
0xae: {  	_ =	swait.ge [sflag:s22], $0x2000  }
0xaf: {  	[sflag:s22] =	ssyncset.done $0x0  }
0xb0: {  	[sflag:s22] =	ssyncadd.s32 $0xFFFFE000  }
0xb1: {  	_ =	swait.ge [sflag:s24], $0x40  }
0xb2: {  	[sflag:s24] =	ssyncset.done $0x0  }
0xb3: {  	s29 =	simm.s32 @p3 $0x8;
	[sflag:s24] =	ssyncadd.s32 $0xFFFFFFC0  }
0xb4: {  	[spmem:s6] =	stream.indirect.scatter.add.f32 [tilespmem:s11], [sflag:$0xA], $0x80, s26, s14, $0xb8;
	[tilespmem:$0x1FF80] =	vst v63  }
0xb5: {  	_ =	swait.ge @p3 [sflag:s29], $0x2000  }
0xb6: {  	[sflag:s29] =	ssyncset.done @p3 $0x0  }
0xb7: {  	s0 =	simm.s32 @!p3 $0x100;
	[sflag:s29] =	ssyncadd.s32 @p3 $0xFFFFE000;
	s29 =	sadd.s32 @!p3 $0x40, s12  }
0xb8: {  	[tilespmem:s0], [sflag:$0xF] =	stream.linear.gather @!p3 [hbm4b:s29+s30], $0x40, $0x38;
	[tilespmem:$0x1FF80] =	vst v63  }
0xb9: {  	s1 =	simm.s32 @!p3 $0x300;
	s29 =	sadd.s32 @!p3 $0x30, s10  }
0xba: {  	[tilespmem:s1], [sflag:$0x13] =	stream.linear.gather @!p3 [hbm4b:s29+s30], $0x40, $0x38;
	[tilespmem:$0x1FF80] =	vst v63  }
0xbb: {  	s1 =	simm.s32 @!p3 $0x8  }
0xbc: {  	_ =	swait.ge @!p3 [sflag:s1], $0x2000  }
0xbd: {  	[sflag:s1] =	ssyncset.done @!p3 $0x0  }
0xbe: {  	[sflag:s1] =	ssyncadd.s32 @!p3 $0xFFFFE000;
	s1 =	simm.s32 @!p3 $0xE  }
0xbf: {  	_ =	swait.ge @!p3 [sflag:s1], $0x40  }
0xc0: {  	[sflag:s1] =	ssyncset.done @!p3 $0x0  }
0xc1: {  	[sflag:s1] =	ssyncadd.s32 @!p3 $0xFFFFFFC0;
	s1 =	simm.s32 @!p3 $0x2700  }
0xc2: {  	[tilespmem:s1], [sflag:$0x2] =	stream.indirect.gather @!p3 [hbm4b:s18+s8], $0x80, s25, s8, $0xb8;
	[tilespmem:$0x1FF80] =	vst v63  }
0xc3: {  	_ =	swait.ge [sflag:s17], $0x2000  }
0xc4: {  	[sflag:s17] =	ssyncset.done $0x0  }
0xc5: {  	[sflag:s17] =	ssyncadd.s32 $0xFFFFE000  }
0xc6: {  	_ =	swait.ge [sflag:s2], $0x40  }
0xc7: {  	[sflag:s2] =	ssyncset.done $0x0  }
0xc8: {  	s1 =	simm.s32 @p3 $0x9;
	[sflag:s2] =	ssyncadd.s32 $0xFFFFFFC0  }
0xc9: {  	[spmem:s6] =	stream.indirect.scatter.add.f32 [tilespmem:s13], [sflag:$0xB], $0x80, s16, s14, $0xb8;
	[tilespmem:$0x1FF80] =	vst v63  }
0xca: {  	_ =	swait.ge @p3 [sflag:s1], $0x2000  }
0xcb: {  	[sflag:s1] =	ssyncset.done @p3 $0x0  }
0xcc: {  	[sflag:s1] =	ssyncadd.s32 @p3 $0xFFFFE000;
	s1 =	sadd.s32 @!p3 $0x48, s12;
	s12 =	simm.s32 @!p3 $0x180  }
0xcd: {  	[tilespmem:s12], [sflag:$0x10] =	stream.linear.gather @!p3 [hbm4b:s1+s30], $0x40, $0x38;
	[tilespmem:$0x1FF80] =	vst v63  }
0xce: {  	s1 =	sadd.s32 @!p3 $0x38, s10;
	s10 =	simm.s32 @!p3 $0x380  }
0xcf: {  	[tilespmem:s10], [sflag:$0x14] =	stream.linear.gather @!p3 [hbm4b:s1+s30], $0x40, $0x38;
	[tilespmem:$0x1FF80] =	vst v63  }
0xd0: {  	s1 =	simm.s32 @!p3 $0x9  }
0xd1: {  	_ =	swait.ge @!p3 [sflag:s1], $0x2000  }
0xd2: {  	[sflag:s1] =	ssyncset.done @!p3 $0x0  }
0xd3: {  	[sflag:s1] =	ssyncadd.s32 @!p3 $0xFFFFE000;
	s1 =	simm.s32 @!p3 $0xF  }
0xd4: {  	_ =	swait.ge @!p3 [sflag:s1], $0x40  }
0xd5: {  	[sflag:s1] =	ssyncset.done @!p3 $0x0  }
0xd6: {  	[sflag:s1] =	ssyncadd.s32 @!p3 $0xFFFFFFC0;
	s1 =	simm.s32 @!p3 $0x4700  }
0xd7: {  	[tilespmem:s1], [sflag:$0x3] =	stream.indirect.gather @!p3 [hbm4b:s18+s8], $0x80, s0, s8, $0xb8;
	[tilespmem:$0x1FF80] =	vst v63  }
0xd8: {  	_ =	swait.ge [sflag:s15], $0x2000  }
0xd9: {  	[sflag:s15] =	ssyncset.done $0x0  }
.Ltmp3:
0xda: {  	[sflag:s15] =	ssyncadd.s32 $0xFFFFE000;
	(pc) =	sbr.rel @p3 .LBB2_4-.Ltmp3, $4  }
0xdb: {  	_ =	swait.ge [sflag:s19], $0x40  }
0xdc: {  	s28 =	simm.s32 $0x400;
	[sflag:s19] =	ssyncset.done $0x0  }
0xdd: {  	s20 =	simm.s32 $0x200;
	s30 =	simm.s32 $0x580;
	[sflag:s19] =	ssyncadd.s32 $0xFFFFFFC0  }
0xde: {  	[spmem:s6] =	stream.indirect.scatter.add.f32 [tilespmem:s5], [sflag:$0xC], $0x80, s30, s14, $0xb8;
	[tilespmem:$0x1FF80] =	vst v63  }
.Ltmp4:
0xdf: {  	(pc) =	sbr.rel .LBB2_2-.Ltmp4, $4  }
0xe0: {  	s0 =	sadd.s32 $0x50, s4;
	s30 =	sadd.s32 $0x40, s9  }
0xe1: {  	[tilespmem:s20], [sflag:$0x11] =	stream.linear.gather [hbm4b:s0+s7], $0x40, $0x38;
	[tilespmem:$0x1FF80] =	vst v63  }
0xe2: {  	s21 =	sadd.s32 $0x30, s21;
	s25 =	simm.s32 $0x200;
	s20 =	simm.s32 $0x400  }
0xe3: {  	[tilespmem:s28], [sflag:$0x15] =	stream.linear.gather [hbm4b:s30+s7], $0x40, $0x38;
	[tilespmem:$0x1FF80] =	vst v63  }
.LBB2_5:
0xe4: {  	p4 =	seq.s32 s4, $0x0  }
0xe5: {  	s0 =	simm.s32 @!p4 $0xA  }
0xe6: {  	_ =	swait.ge @!p4 [sflag:s0], $0x2000  }
0xe7: {  	[sflag:s0] =	ssyncset.done @!p4 $0x0  }
0xe8: {  	s5 =	simm.s32 $0x10;
	[sflag:s0] =	ssyncadd.s32 @!p4 $0xFFFFE000  }
0xe9: {  	_ =	swait.ge [sflag:s5], $0x40  }
0xea: {  	[sflag:s5] =	ssyncset.done $0x0  }
0xeb: {  	[sflag:s5] =	ssyncadd.s32 $0xFFFFFFC0  }
0xec: {  	s8 =	simm.s32 $0x180;
	s11 =	simm.s32 $0x6700;
	s18 =	rddreg [dreg:$0x1]  }
0xed: {  	[tilespmem:s11], [sflag:$0x4] =	stream.indirect.gather [hbm4b:s18+s14], $0x80, s8, s14, $0xb8;
	[tilespmem:$0x1FF80] =	vst v63  }
0xee: {  	_ =	swait.ge [sflag:s31], $0x2000  }
0xef: {  	[sflag:s31] =	ssyncset.done $0x0  }
0xf0: {  	s9 =	simm.s32 $0x13;
	[sflag:s31] =	ssyncadd.s32 $0xFFFFE000  }
0xf1: {  	_ =	swait.ge [sflag:s9], $0x40  }
0xf2: {  	[sflag:s9] =	ssyncset.done $0x0  }
0xf3: {  	s10 =	simm.s32 $0x300;
	s1 =	simm.s32 $0x700;
	[sflag:s9] =	ssyncadd.s32 $0xFFFFFFC0  }
0xf4: {  	[spmem:s6] =	stream.indirect.scatter.add.f32 [tilespmem:s1], [sflag:$0x7], $0x80, s10, s14, $0xb8;
	[tilespmem:$0x1FF80] =	vst v63  }
0xf5: {  	s1 =	rddreg [dreg:$0x16]  }
0xf6: {  	s10 =	rddreg [dreg:$0x15];
	s21 =	sadd.s32 s4, s1  }
0xf7: {  	s28 =	simm.s32 $0x280;
	s9 =	sadd.s32 s4, s10;
	s12 =	sadd.s32 $0x28, s21  }
0xf8: {  	[tilespmem:s28], [sflag:$0x12] =	stream.linear.gather [hbm4b:s12+s7], $0x40, $0x38;
	[tilespmem:$0x1FF80] =	vst v63  }
0xf9: {  	s26 =	simm.s32 $0x480;
	s0 =	simm.s32 @!p4 $0xB;
	s13 =	sadd.s32 $0x18, s9  }
0xfa: {  	[tilespmem:s26], [sflag:$0x16] =	stream.linear.gather [hbm4b:s13+s7], $0x40, $0x38;
	[tilespmem:$0x1FF80] =	vst v63  }
0xfb: {  	_ =	swait.ge @!p4 [sflag:s0], $0x2000  }
0xfc: {  	[sflag:s0] =	ssyncset.done @!p4 $0x0  }
0xfd: {  	s16 =	simm.s32 $0x11;
	[sflag:s0] =	ssyncadd.s32 @!p4 $0xFFFFE000  }
0xfe: {  	_ =	swait.ge [sflag:s16], $0x40  }
0xff: {  	[sflag:s16] =	ssyncset.done $0x0  }
0x100: {  	s29 =	simm.s32 $0x2;
	s13 =	simm.s32 $0x8700;
	[sflag:s16] =	ssyncadd.s32 $0xFFFFFFC0  }
0x101: {  	[tilespmem:s13], [sflag:$0x5] =	stream.indirect.gather [hbm4b:s18+s14], $0x80, s25, s14, $0xb8;
	[tilespmem:$0x1FF80] =	vst v63  }
0x102: {  	_ =	swait.ge [sflag:s29], $0x2000  }
0x103: {  	[sflag:s29] =	ssyncset.done $0x0  }
0x104: {  	s30 =	simm.s32 $0x14;
	[sflag:s29] =	ssyncadd.s32 $0xFFFFE000  }
0x105: {  	_ =	swait.ge [sflag:s30], $0x40  }
0x106: {  	p3 =	seq.s32 s4, $0x990;
	s5 =	simm.s32 $0x380;
	[sflag:s30] =	ssyncset.done $0x0  }
0x107: {  	s8 =	simm.s32 $0x2700;
	s12 =	sadd.s32 @!p3 s4, s1;
	[sflag:s30] =	ssyncadd.s32 $0xFFFFFFC0  }
0x108: {  	[spmem:s6] =	stream.indirect.scatter.add.f32 [tilespmem:s8], [sflag:$0x8], $0x80, s5, s14, $0xb8;
	[tilespmem:$0x1FF80] =	vst v63  }
0x109: {  	s0 =	sadd.s32 @!p3 $0x30, s12;
	s30 =	simm.s32 @!p3 $0x0  }
0x10a: {  	[tilespmem:s30], [sflag:$0xD] =	stream.linear.gather @!p3 [hbm4b:s0+s30], $0x40, $0x38;
	[tilespmem:$0x1FF80] =	vst v63  }
0x10b: {  	s16 =	simm.s32 $0x500;
	s8 =	sadd.s32 $0x20, s9;
	s0 =	simm.s32 @!p4 $0xC  }
0x10c: {  	[tilespmem:s16], [sflag:$0x17] =	stream.linear.gather [hbm4b:s8+s7], $0x40, $0x38;
	[tilespmem:$0x1FF80] =	vst v63  }
0x10d: {  	_ =	swait.ge @!p4 [sflag:s0], $0x2000  }
0x10e: {  	[sflag:s0] =	ssyncset.done @!p4 $0x0  }
0x10f: {  	s25 =	simm.s32 $0x12;
	[sflag:s0] =	ssyncadd.s32 @!p4 $0xFFFFE000  }
0x110: {  	_ =	swait.ge [sflag:s25], $0x40  }
0x111: {  	[sflag:s25] =	ssyncset.done $0x0  }
0x112: {  	s5 =	simm.s32 $0xA700;
	[sflag:s25] =	ssyncadd.s32 $0xFFFFFFC0  }
0x113: {  	[tilespmem:s5], [sflag:$0x6] =	stream.indirect.gather [hbm4b:s18+s14], $0x80, s28, s14, $0xb8;
	[tilespmem:$0x1FF80] =	vst v63  }
0x114: {  	_ =	swait.ge [sflag:s23], $0x2000  }
0x115: {  	[sflag:s23] =	ssyncset.done $0x0  }
0x116: {  	[sflag:s23] =	ssyncadd.s32 $0xFFFFE000  }
0x117: {  	_ =	swait.ge [sflag:s3], $0x40  }
0x118: {  	[sflag:s3] =	ssyncset.done $0x0  }
0x119: {  	s29 =	simm.s32 $0x4700;
	s0 =	sadd.s32 @p3 s4, s10;
	[sflag:s3] =	ssyncadd.s32 $0xFFFFFFC0  }
0x11a: {  	[spmem:s6] =	stream.indirect.scatter.add.f32 [tilespmem:s29], [sflag:$0x9], $0x80, s20, s14, $0xb8;
	[tilespmem:$0x1FF80] =	vst v63  }
0x11b: {  	s1 =	simm.s32 @p3 $0x0;
	s8 =	simm.s32 @p3 $0x580;
	s0 =	sadd.s32 @p3 $0x28, s0  }
0x11c: {  	[tilespmem:s8], [sflag:$0x18] =	stream.linear.gather @p3 [hbm4b:s0+s1], $0x40, $0x38;
	[tilespmem:$0x1FF80] =	vst v63  }
0x11d: {  	s0 =	simm.s32 @p3 $0x7  }
0x11e: {  	_ =	swait.ge @p3 [sflag:s0], $0x2000  }
0x11f: {  	[sflag:s0] =	ssyncset.done @p3 $0x0  }
0x120: {  	s1 =	simm.s32 @!p3 $0x80;
	[sflag:s0] =	ssyncadd.s32 @p3 $0xFFFFE000;
	s0 =	sadd.s32 @!p3 $0x38, s12  }
0x121: {  	[tilespmem:s1], [sflag:$0xE] =	stream.linear.gather @!p3 [hbm4b:s0+s30], $0x40, $0x38;
	[tilespmem:$0x1FF80] =	vst v63  }
0x122: {  	s0 =	sadd.s32 @!p3 s4, s10  }
0x123: {  	s10 =	simm.s32 @!p3 $0x580;
	s8 =	sadd.s32 @!p3 $0x28, s0  }
0x124: {  	[tilespmem:s10], [sflag:$0x18] =	stream.linear.gather @!p3 [hbm4b:s8+s30], $0x40, $0x38;
	[tilespmem:$0x1FF80] =	vst v63  }
0x125: {  	s8 =	simm.s32 @!p3 $0x7  }
0x126: {  	_ =	swait.ge @!p3 [sflag:s8], $0x2000  }
0x127: {  	[sflag:s8] =	ssyncset.done @!p3 $0x0  }
0x128: {  	[sflag:s8] =	ssyncadd.s32 @!p3 $0xFFFFE000;
	s8 =	simm.s32 @!p3 $0xD  }
0x129: {  	_ =	swait.ge @!p3 [sflag:s8], $0x40  }
0x12a: {  	[sflag:s8] =	ssyncset.done @!p3 $0x0  }
0x12b: {  	s10 =	simm.s32 @!p3 $0x700;
	[sflag:s8] =	ssyncadd.s32 @!p3 $0xFFFFFFC0;
	s8 =	simm.s32 @!p3 $0x40  }
0x12c: {  	[tilespmem:s10], [sflag:$0x1] =	stream.indirect.gather @!p3 [hbm4b:s18+s8], $0x80, s30, s8, $0xb8;
	[tilespmem:$0x1FF80] =	vst v63  }
0x12d: {  	_ =	swait.ge [sflag:s22], $0x2000  }
0x12e: {  	[sflag:s22] =	ssyncset.done $0x0  }
0x12f: {  	[sflag:s22] =	ssyncadd.s32 $0xFFFFE000  }
0x130: {  	_ =	swait.ge [sflag:s24], $0x40  }
0x131: {  	[sflag:s24] =	ssyncset.done $0x0  }
0x132: {  	s10 =	simm.s32 @p3 $0x8;
	[sflag:s24] =	ssyncadd.s32 $0xFFFFFFC0  }
0x133: {  	[spmem:s6] =	stream.indirect.scatter.add.f32 [tilespmem:s11], [sflag:$0xA], $0x80, s26, s14, $0xb8;
	[tilespmem:$0x1FF80] =	vst v63  }
0x134: {  	_ =	swait.ge @p3 [sflag:s10], $0x2000  }
0x135: {  	[sflag:s10] =	ssyncset.done @p3 $0x0  }
0x136: {  	s25 =	simm.s32 @!p3 $0x100;
	[sflag:s10] =	ssyncadd.s32 @p3 $0xFFFFE000;
	s10 =	sadd.s32 @!p3 $0x40, s12  }
0x137: {  	[tilespmem:s25], [sflag:$0xF] =	stream.linear.gather @!p3 [hbm4b:s10+s30], $0x40, $0x38;
	[tilespmem:$0x1FF80] =	vst v63  }
0x138: {  	s29 =	simm.s32 @!p3 $0x300;
	s10 =	sadd.s32 @!p3 $0x30, s0  }
0x139: {  	[tilespmem:s29], [sflag:$0x13] =	stream.linear.gather @!p3 [hbm4b:s10+s30], $0x40, $0x38;
	[tilespmem:$0x1FF80] =	vst v63  }
0x13a: {  	s10 =	simm.s32 @!p3 $0x8  }
0x13b: {  	_ =	swait.ge @!p3 [sflag:s10], $0x2000  }
0x13c: {  	[sflag:s10] =	ssyncset.done @!p3 $0x0  }
0x13d: {  	[sflag:s10] =	ssyncadd.s32 @!p3 $0xFFFFE000;
	s10 =	simm.s32 @!p3 $0xE  }
0x13e: {  	_ =	swait.ge @!p3 [sflag:s10], $0x40  }
0x13f: {  	[sflag:s10] =	ssyncset.done @!p3 $0x0  }
0x140: {  	[sflag:s10] =	ssyncadd.s32 @!p3 $0xFFFFFFC0;
	s10 =	simm.s32 @!p3 $0x2700  }
0x141: {  	[tilespmem:s10], [sflag:$0x2] =	stream.indirect.gather @!p3 [hbm4b:s18+s8], $0x80, s1, s8, $0xb8;
	[tilespmem:$0x1FF80] =	vst v63  }
0x142: {  	_ =	swait.ge [sflag:s17], $0x2000  }
0x143: {  	[sflag:s17] =	ssyncset.done $0x0  }
0x144: {  	[sflag:s17] =	ssyncadd.s32 $0xFFFFE000  }
0x145: {  	_ =	swait.ge [sflag:s2], $0x40  }
0x146: {  	[sflag:s2] =	ssyncset.done $0x0  }
0x147: {  	s1 =	simm.s32 @p3 $0x9;
	[sflag:s2] =	ssyncadd.s32 $0xFFFFFFC0  }
0x148: {  	[spmem:s6] =	stream.indirect.scatter.add.f32 [tilespmem:s13], [sflag:$0xB], $0x80, s16, s14, $0xb8;
	[tilespmem:$0x1FF80] =	vst v63  }
0x149: {  	_ =	swait.ge @p3 [sflag:s1], $0x2000  }
0x14a: {  	[sflag:s1] =	ssyncset.done @p3 $0x0  }
0x14b: {  	s10 =	simm.s32 @!p3 $0x180;
	[sflag:s1] =	ssyncadd.s32 @p3 $0xFFFFE000;
	s1 =	sadd.s32 @!p3 $0x48, s12  }
0x14c: {  	[tilespmem:s10], [sflag:$0x10] =	stream.linear.gather @!p3 [hbm4b:s1+s30], $0x40, $0x38;
	[tilespmem:$0x1FF80] =	vst v63  }
0x14d: {  	s0 =	sadd.s32 @!p3 $0x38, s0;
	s1 =	simm.s32 @!p3 $0x380  }
0x14e: {  	[tilespmem:s1], [sflag:$0x14] =	stream.linear.gather @!p3 [hbm4b:s0+s30], $0x40, $0x38;
	[tilespmem:$0x1FF80] =	vst v63  }
0x14f: {  	s0 =	simm.s32 @!p3 $0x9  }
0x150: {  	_ =	swait.ge @!p3 [sflag:s0], $0x2000  }
0x151: {  	[sflag:s0] =	ssyncset.done @!p3 $0x0  }
0x152: {  	[sflag:s0] =	ssyncadd.s32 @!p3 $0xFFFFE000;
	s0 =	simm.s32 @!p3 $0xF  }
0x153: {  	_ =	swait.ge @!p3 [sflag:s0], $0x40  }
0x154: {  	[sflag:s0] =	ssyncset.done @!p3 $0x0  }
0x155: {  	[sflag:s0] =	ssyncadd.s32 @!p3 $0xFFFFFFC0;
	s0 =	simm.s32 @!p3 $0x4700  }
0x156: {  	[tilespmem:s0], [sflag:$0x3] =	stream.indirect.gather @!p3 [hbm4b:s18+s8], $0x80, s25, s8, $0xb8;
	[tilespmem:$0x1FF80] =	vst v63  }
0x157: {  	_ =	swait.ge [sflag:s15], $0x2000  }
0x158: {  	[sflag:s15] =	ssyncset.done $0x0  }
.Ltmp5:
0x159: {  	[sflag:s15] =	ssyncadd.s32 $0xFFFFE000;
	(pc) =	sbr.rel @p3 .LBB2_7-.Ltmp5, $4  }
0x15a: {  	_ =	swait.ge [sflag:s19], $0x40  }
0x15b: {  	s28 =	simm.s32 $0x400;
	[sflag:s19] =	ssyncset.done $0x0  }
0x15c: {  	s20 =	simm.s32 $0x200;
	s30 =	simm.s32 $0x580;
	[sflag:s19] =	ssyncadd.s32 $0xFFFFFFC0  }
0x15d: {  	[spmem:s6] =	stream.indirect.scatter.add.f32 [tilespmem:s5], [sflag:$0xC], $0x80, s30, s14, $0xb8;
	[tilespmem:$0x1FF80] =	vst v63  }
.Ltmp6:
0x15e: {  	(pc) =	sbr.rel .LBB2_5-.Ltmp6, $4  }
0x15f: {  	s0 =	sadd.s32 $0x50, s21;
	s30 =	sadd.s32 $0x40, s9  }
0x160: {  	[tilespmem:s20], [sflag:$0x11] =	stream.linear.gather [hbm4b:s0+s7], $0x40, $0x38;
	[tilespmem:$0x1FF80] =	vst v63  }
0x161: {  	s4 =	sadd.s32 $0x30, s4;
	s25 =	simm.s32 $0x200;
	s20 =	simm.s32 $0x400  }
0x162: {  	[tilespmem:s28], [sflag:$0x15] =	stream.linear.gather [hbm4b:s30+s7], $0x40, $0x38;
	[tilespmem:$0x1FF80] =	vst v63  }
.LBB2_4:
0x163: {  	s0 =	simm.s32 $0xA  }
0x164: {  	_ =	swait.ge [sflag:s0], $0x2000  }
0x165: {  	[sflag:s0] =	ssyncset.done $0x0  }
0x166: {  	s20 =	simm.s32 $0xB;
	[sflag:s0] =	ssyncadd.s32 $0xFFFFE000  }
0x167: {  	_ =	swait.ge [sflag:s20], $0x2000  }
0x168: {  	[sflag:s20] =	ssyncset.done $0x0  }
0x169: {  	s21 =	simm.s32 $0xC;
	[sflag:s20] =	ssyncadd.s32 $0xFFFFE000  }
0x16a: {  	_ =	swait.ge [sflag:s21], $0x2000  }
0x16b: {  	[sflag:s21] =	ssyncset.done $0x0  }
0x16c: {  	s25 =	simm.s32 $0x1A;
	[sflag:s21] =	ssyncadd.s32 $0xFFFFE000  }
0x16d: {  	_ =	swait.ge [sflag:s25], $0x20  }
0x16e: {  	[sflag:s25] =	ssyncset.done $0x0  }
0x16f: {  	s26 =	simm.s32 $0x1B;
	[sflag:s25] =	ssyncadd.s32 $0xFFFFFFE0  }
0x170: {  	_ =	swait.ge [sflag:s26], $0x20  }
0x171: {  	[sflag:s26] =	ssyncset.done $0x0  }
0x172: {  	s10 =	simm.s32 $0x600;
	[sflag:s26] =	ssyncadd.s32 $0xFFFFFFE0  }
0x173: {  	s1 =	simm.s32 $0x700;
	s4 =	simm.s32 $0x20;
	s0 =	rddreg [dreg:$0x0]  }
0x174: {  	[tilespmem:s1], [sflag:$0x1] =	stream.indirect.gather [hbm4b:s0+s4], $0x80, s10, s4, $0xb8;
	[tilespmem:$0x1FF80] =	vst v63  }
0x175: {  	_ =	swait.ge [sflag:s31], $0x1000  }
0x176: {  	[sflag:s31] =	ssyncset.done $0x0  }
0x177: {  	s12 =	simm.s32 $0x680;
	s28 =	simm.s32 $0x1C;
	[sflag:s31] =	ssyncadd.s32 $0xFFFFF000  }
0x178: {  	[spmem:s6] =	stream.indirect.scatter.add.f32 [tilespmem:s1], [sflag:$0x1C], $0x80, s12, s4, $0xb8;
	[tilespmem:$0x1FF80] =	vst v63  }
0x179: {  	_ =	swait.ge [sflag:s28], $0x1000  }
0x17a: {  	[sflag:s28] =	ssyncset.done $0x0  }
0x17b: {  	[sflag:s28] =	ssyncadd.s32 $0xFFFFF000  }
0x17c: {  	[bflag:$0x0] =	sbarrier.arrive $0xFFFF  }
0x17d: {  	s5 =	sld [smem:$0x7FB]  }
0x17e: {  	s29 =	rddreg [dreg:$0x1c]  }
0x17f: {  	s30 =	rddreg [dreg:$0x1a];
	s4 =	sor.u32 $0x1C1C, s29  }
0x180: {  	[hbm:s30], [sflag:s4] =	dma.local [spmem:s5], $0x2700  }
.Ltmp7:
0x181: {  	_ = 	snop;
	(pc) =	sbr.rel @p2 .LBB2_8-.Ltmp7, $4  }
.Ltmp8:
0x182: {  	_ =	swait.ge [sflag:s28], $0x2700;
	(pc) =	sbr.rel @!p2 .LBB2_9-.Ltmp8, $4  }
0x183: {  	[sflag:s28] =	ssyncset.done $0x0  }
0x184: {  	s5 =	sld [smem:$0x7FA];
	[sflag:s28] =	ssyncadd.s32 $0xFFFFD900  }
0x185: {  	s25 =	simm.s32 $0x200;
	s9 =	rddreg [dreg:$0x8]  }
0x186: {  	_ = 	snop  }
.LBB2_7:
0x187: {  	s0 =	simm.s32 $0xA  }
0x188: {  	_ =	swait.ge [sflag:s0], $0x2000  }
0x189: {  	[sflag:s0] =	ssyncset.done $0x0  }
0x18a: {  	s20 =	simm.s32 $0xB;
	[sflag:s0] =	ssyncadd.s32 $0xFFFFE000  }
0x18b: {  	_ =	swait.ge [sflag:s20], $0x2000  }
0x18c: {  	[sflag:s20] =	ssyncset.done $0x0  }
0x18d: {  	s21 =	simm.s32 $0xC;
	[sflag:s20] =	ssyncadd.s32 $0xFFFFE000  }
0x18e: {  	_ =	swait.ge [sflag:s21], $0x2000  }
0x18f: {  	[sflag:s21] =	ssyncset.done $0x0  }
0x190: {  	s25 =	simm.s32 $0x1A;
	[sflag:s21] =	ssyncadd.s32 $0xFFFFE000  }
0x191: {  	_ =	swait.ge [sflag:s25], $0x20  }
0x192: {  	[sflag:s25] =	ssyncset.done $0x0  }
0x193: {  	s26 =	simm.s32 $0x1B;
	[sflag:s25] =	ssyncadd.s32 $0xFFFFFFE0  }
0x194: {  	_ =	swait.ge [sflag:s26], $0x20  }
0x195: {  	[sflag:s26] =	ssyncset.done $0x0  }
0x196: {  	s10 =	simm.s32 $0x600;
	[sflag:s26] =	ssyncadd.s32 $0xFFFFFFE0  }
0x197: {  	s1 =	simm.s32 $0x700;
	s4 =	simm.s32 $0x20;
	s0 =	rddreg [dreg:$0x1]  }
0x198: {  	[tilespmem:s1], [sflag:$0x1] =	stream.indirect.gather [hbm4b:s0+s4], $0x80, s10, s4, $0xb8;
	[tilespmem:$0x1FF80] =	vst v63  }
0x199: {  	_ =	swait.ge [sflag:s31], $0x1000  }
0x19a: {  	[sflag:s31] =	ssyncset.done $0x0  }
0x19b: {  	s12 =	simm.s32 $0x680;
	s28 =	simm.s32 $0x1C;
	[sflag:s31] =	ssyncadd.s32 $0xFFFFF000  }
0x19c: {  	[spmem:s6] =	stream.indirect.scatter.add.f32 [tilespmem:s1], [sflag:$0x1C], $0x80, s12, s4, $0xb8;
	[tilespmem:$0x1FF80] =	vst v63  }
0x19d: {  	_ =	swait.ge [sflag:s28], $0x1000  }
0x19e: {  	[sflag:s28] =	ssyncset.done $0x0  }
0x19f: {  	[sflag:s28] =	ssyncadd.s32 $0xFFFFF000  }
0x1a0: {  	[bflag:$0x0] =	sbarrier.arrive $0xFFFF  }
0x1a1: {  	s5 =	sld [smem:$0x7FB]  }
0x1a2: {  	s29 =	rddreg [dreg:$0x1c]  }
0x1a3: {  	s30 =	rddreg [dreg:$0x18];
	s4 =	sor.u32 $0x1C1C, s29  }
0x1a4: {  	[hbm:s30], [sflag:s4] =	dma.local [spmem:s5], $0x2700  }
.Ltmp9:
0x1a5: {  	_ = 	snop;
	(pc) =	sbr.rel @p1 .LBB2_9-.Ltmp9, $4  }
.Ltmp10:
0x1a6: {  	_ =	swait.ge [sflag:s28], $0x2700;
	(pc) =	sbr.rel @!p1 .LBB2_8-.Ltmp10, $4  }
0x1a7: {  	[sflag:s28] =	ssyncset.done $0x0  }
0x1a8: {  	s5 =	sld [smem:$0x7FA];
	[sflag:s28] =	ssyncadd.s32 $0xFFFFD900  }
0x1a9: {  	s25 =	simm.s32 $0x200;
	s9 =	rddreg [dreg:$0x7]  }
0x1aa: {  	_ = 	snop  }
.LBB2_10:
0x1ab: {  	_ =	sfence.sel $0x180000  }
0x1ac: {  	[bflag:$0x0] =	sbarrier.arrive $0xFFFF  }
0x1ad: {  	_ =	strace $0x90000047  }
0x1ae: {  	s0 =	stileid.u32;
	[bflag:$0x2] =	sbarrier.arrive $0xFFFF  }
0x1af: {  	p0 =	sne.s32 s0, $0x0;
	s0 =	rddreg [dreg:$0xa]  }
0x1b0: {  	s0 =	sadd.s32 @!p0 $0x100000, s0  }
0x1b1: {  	[sflag:s0] =	ssyncadd.tile.s32 @!p0 $0x1;
	_ =	shalt  }
.Lfunc_end2:
_tile_overlayer_lowered:
.L_overlay_start_2:
0x1b2: {  	(tag) =	ssettag $0x2  }
0x1b3: {  	s0 =	rddreg [dreg:$0x0];
	s2 =	stileid.u32  }
0x1b4: {  	s1 =	rddreg [dreg:$0x1];
	p0 =	sne.s32 s2, $0x0  }
0x1b5: {  	s3 =	rddreg [dreg:$0x2];
	[bflag:$0x3] =	sbarrier.arrive $0xFFFF;
	s2 =	simm.s32 @!p0 $0x1C1C  }
0x1b6: {  	[timem:s3], [sflag:s2] =	dma.local @!p0 [hbm:s0], s1  }
0x1b7: {  	s0 =	simm.s32 @!p0 $0x1C  }
0x1b8: {  	_ =	swait.ge @!p0 [sflag:s0], s1  }
0x1b9: {  	s1 =	ssub.s32 @!p0 $0x0, s1;
	[sflag:s0] =	ssyncset.done @!p0 $0x0  }
0x1ba: {  	[sflag:s0] =	ssyncadd.s32 @!p0 s1  }
0x1bb: {  	[bflag:$0x3] =	sbarrier.arrive $0xFFFF  }
0x1bc: {  	_ =	shalt  }

</sc_bundles>
